<compile_context>
chip_gen: v7x
topology: tpu7x:2x2x1
jax: 0.10.2.dev20260603
libtpu: 0.0.44.dev20260713+nightly
codegen_flags: <defaults>
</compile_context>

<pallas_src>
import functools

import jax
import jax.numpy as jnp
from jax import lax
from jax.experimental import pallas as pl
from jax.experimental.pallas import tpu as pltpu
from jax.experimental.pallas import tpu_sc as plsc

_SEQ = 200
_D = 64
_LANES = 16
_CHUNK = 2 * _SEQ


@functools.lru_cache(maxsize=None)
def _build(n_rows: int):
    info = plsc.get_sparse_core_info()
    nw = info.num_cores * info.num_subcores
    assert n_rows % (nw * _CHUNK) == 0
    per_w = n_rows // nw
    n_chunks = per_w // _CHUNK
    assert n_chunks % 2 == 0

    mesh = plsc.VectorSubcoreMesh(core_axis_name="c", subcore_axis_name="s")

    @functools.partial(
        pl.kernel,
        mesh=mesh,
        out_type=jax.ShapeDtypeStruct((n_rows, _D), jnp.float32),
        scratch_types=[
            pltpu.VMEM((2, _CHUNK), jnp.int32),
            pltpu.VMEM((_CHUNK, _D), jnp.float32),
            pltpu.VMEM((_CHUNK, _D), jnp.float32),
            pltpu.VMEM((_CHUNK, _D), jnp.float32),
            pltpu.SemaphoreType.DMA,
            pltpu.SemaphoreType.DMA,
            pltpu.SemaphoreType.DMA,
            pltpu.SemaphoreType.DMA,
        ],
        compiler_params=pltpu.CompilerParams(use_tc_tiling_on_sc=False),
    )
    def emb(x_hbm, table_hbm, pos_hbm, out_hbm,
            idx_v, rows0_v, rows1_v, pos2_v,
            gsem0, gsem1, isem0, isem1):
        wid = lax.axis_index("s") * info.num_cores + lax.axis_index("c")
        base = wid * per_w
        rows = (rows0_v, rows1_v)
        gsem = (gsem0, gsem1)
        isem = (isem0, isem1)

        pltpu.sync_copy(pos_hbm, pos2_v.at[pl.ds(0, _SEQ)])
        pltpu.sync_copy(pos_hbm, pos2_v.at[pl.ds(_SEQ, _SEQ)])

        def idx_copy(b, g):
            return pltpu.make_async_copy(
                x_hbm.at[pl.ds(base + g * _CHUNK, _CHUNK)],
                idx_v.at[b], isem[b])

        def gather(b, g):
            del g
            return pltpu.make_async_copy(
                table_hbm.at[idx_v.at[b]], rows[b], gsem[b])

        idx_copy(0, 0).start()
        idx_copy(1, 1).start()
        idx_copy(0, 0).wait()
        gather(0, 0).start()

        def step(b, g):
            gather(b, g).wait()

            @pl.when(g + 2 < n_chunks)
            def _():
                idx_copy(b, g + 2).start()

            @pl.when(g + 1 < n_chunks)
            def _():
                idx_copy(1 - b, g + 1).wait()
                gather(1 - b, g + 1).start()

            def add_row(i, c):
                for j in range(_D // _LANES):
                    plsc.addupdate(
                        rows[b].at[i, pl.ds(j * _LANES, _LANES)],
                        pos2_v[i, pl.ds(j * _LANES, _LANES)],
                    )
                return c

            lax.fori_loop(0, _CHUNK, add_row, 0, unroll=4)
            pltpu.sync_copy(rows[b], out_hbm.at[pl.ds(base + g * _CHUNK, _CHUNK)])

        def pair(t, carry):
            step(0, 2 * t)
            step(1, 2 * t + 1)
            return carry

        lax.fori_loop(0, n_chunks // 2, pair, 0)

    return emb


def kernel(x, token_table, pos_table):
    b, l = x.shape
    out = _build(b * l)(x.reshape(-1), token_table, pos_table)
    return out.reshape(b, l, _D)

# --- scband reference (transcript-rebuilt; emitter-appended) ---
"""Pipeline reference for scband-token-and-position-embedding-16870631538713 (READ-ONLY COPY).

The authoritative reference and input builder live on the scoring server;
editing this copy changes nothing except your own understanding.
"""

import jax, jax.numpy as jnp
import numpy as np

VOCAB = 1000000
SEQ_MAXLEN = 200
EMBED_DIM = 64
BATCH = 4096

def setup_inputs(seed: int = 0) -> dict:
    key = jax.random.key(seed)
    k1, k2, k3 = jax.random.split(key, 3)
    x = jax.random.randint(k1, (BATCH, SEQ_MAXLEN), 0, VOCAB, dtype=jnp.int32)
    # learned parameters: token embedding table and trainable positional embedding table
    token_table = jax.random.normal(k2, (VOCAB, EMBED_DIM), dtype=jnp.float32) * 0.02
    pos_table = jax.random.normal(k3, (SEQ_MAXLEN, EMBED_DIM), dtype=jnp.float32) * 0.02
    return {"x": x, "token_table": token_table, "pos_table": pos_table}


def reference(x, token_table, pos_table):
    # token embedding lookup (gather)
    token_embedding = jnp.take(token_table, x, axis=0)  # [B, L, D]
    # scale_emb=False, so no scaling
    # trainable positional embedding: positions = range(maxlen)
    maxlen = x.shape[1]
    positions = jnp.take(pos_table, jnp.arange(maxlen), axis=0)  # [L, D]
    return token_embedding + positions[None, :, :]

if __name__ == "__main__":
    import jax
    _d = setup_inputs()
    print(jax.jit(kernel)(*tuple(_d.values())))

</pallas_src>

<mosaic_0001>
#map = affine_map<(d0, d1) -> (0)>
#map1 = affine_map<(d0, d1) -> (0, 0)>
module attributes {stable_mosaic.version = 14 : i64} {
  func.func @emb(%arg0: i32, %arg1: i32, %arg2: memref<819200xi32, #tpu.memory_space<hbm>>, %arg3: memref<1000000x64xf32, #tpu.memory_space<hbm>>, %arg4: memref<200x64xf32, #tpu.memory_space<hbm>>, %arg5: memref<819200x64xf32, #tpu.memory_space<hbm>>, %arg6: memref<2x400xi32, #tpu.memory_space<vmem>>, %arg7: memref<400x64xf32, #tpu.memory_space<vmem>>, %arg8: memref<400x64xf32, #tpu.memory_space<vmem>>, %arg9: memref<400x64xf32, #tpu.memory_space<vmem>>, %arg10: memref<!tpu.dma_semaphore, #tpu.memory_space<semaphore_mem>>, %arg11: memref<!tpu.dma_semaphore, #tpu.memory_space<semaphore_mem>>, %arg12: memref<!tpu.dma_semaphore, #tpu.memory_space<semaphore_mem>>, %arg13: memref<!tpu.dma_semaphore, #tpu.memory_space<semaphore_mem>>) attributes {dimension_semantics = [#tpu.dimension_semantics<core_parallel>, #tpu.dimension_semantics<subcore_parallel>], iteration_bounds = array<i64: 2, 16>, scalar_prefetch = 0 : i64, scratch_operands = 8 : i64, tpu.core_type = #tpu.core_type<sc_vector_subcore>, window_params = [{transform_indices = #map}, {transform_indices = #map1}, {transform_indices = #map1}, {transform_indices = #map1}]} {
    %mul3A = arith.constant 2 : i32
    %mul3A_0 = arith.muli %arg1, %mul3A : i32
    %add3A = arith.addi %mul3A_0, %arg0 : i32
    %mul3A_1 = arith.constant 25600 : i32
    %mul3A_2 = arith.muli %add3A, %mul3A_1 : i32
    "tpu.region"() ({
      %run_scoped3A = tpu.sem_alloc : memref<!tpu.dma_semaphore, #tpu.memory_space<semaphore_mem>>
      %dma_start3A_46 = arith.constant 0 : i32
      %dma_start3A_47 = arith.constant 0 : i32
      %dma_start3A_48 = tpu.memref_slice %arg9[%dma_start3A_46, %dma_start3A_47] : memref<400x64xf32, #tpu.memory_space<vmem>> -> memref<200x64xf32, #tpu.memory_space<vmem>>
      %dma_start3A_49 = arith.constant 0 : i32
      %dma_start3A_50 = arith.constant 0 : i32
      %dma_start3A_51 = tpu.memref_slice %arg9[%dma_start3A_49, %dma_start3A_50] : memref<400x64xf32, #tpu.memory_space<vmem>> -> memref<200x64xf32, #tpu.memory_space<vmem>>
      tpu.enqueue_dma source(%arg4 : memref<200x64xf32, #tpu.memory_space<hbm>>) target(%dma_start3A_51 : memref<200x64xf32, #tpu.memory_space<vmem>>) target_semaphore(%run_scoped3A : memref<!tpu.dma_semaphore, #tpu.memory_space<semaphore_mem>>)
      %dma_wait3A_52 = arith.constant 0 : i32
      %dma_wait3A_53 = arith.constant 0 : i32
      %dma_wait3A_54 = tpu.memref_slice %arg9[%dma_wait3A_52, %dma_wait3A_53] : memref<400x64xf32, #tpu.memory_space<vmem>> -> memref<200x64xf32, #tpu.memory_space<vmem>>
      %dma_wait3A_55 = arith.constant 0 : i32
      %dma_wait3A_56 = arith.constant 0 : i32
      %dma_wait3A_57 = tpu.memref_slice %arg9[%dma_wait3A_55, %dma_wait3A_56] : memref<400x64xf32, #tpu.memory_space<vmem>> -> memref<200x64xf32, #tpu.memory_space<vmem>>
      tpu.wait_dma2 semaphore(%run_scoped3A : memref<!tpu.dma_semaphore, #tpu.memory_space<semaphore_mem>>) src(%arg4 : memref<200x64xf32, #tpu.memory_space<hbm>>) dst(%dma_wait3A_57 : memref<200x64xf32, #tpu.memory_space<vmem>>)
      tpu.yield
    }) : () -> ()
    "tpu.region"() ({
      %run_scoped3A = tpu.sem_alloc : memref<!tpu.dma_semaphore, #tpu.memory_space<semaphore_mem>>
      %dma_start3A_46 = arith.constant 200 : i32
      %dma_start3A_47 = arith.constant 0 : i32
      %dma_start3A_48 = tpu.memref_slice %arg9[%dma_start3A_46, %dma_start3A_47] : memref<400x64xf32, #tpu.memory_space<vmem>> -> memref<200x64xf32, #tpu.memory_space<vmem>>
      %dma_start3A_49 = arith.constant 200 : i32
      %dma_start3A_50 = arith.constant 0 : i32
      %dma_start3A_51 = tpu.memref_slice %arg9[%dma_start3A_49, %dma_start3A_50] : memref<400x64xf32, #tpu.memory_space<vmem>> -> memref<200x64xf32, #tpu.memory_space<vmem>>
      tpu.enqueue_dma source(%arg4 : memref<200x64xf32, #tpu.memory_space<hbm>>) target(%dma_start3A_51 : memref<200x64xf32, #tpu.memory_space<vmem>>) target_semaphore(%run_scoped3A : memref<!tpu.dma_semaphore, #tpu.memory_space<semaphore_mem>>)
      %dma_wait3A_52 = arith.constant 200 : i32
      %dma_wait3A_53 = arith.constant 0 : i32
      %dma_wait3A_54 = tpu.memref_slice %arg9[%dma_wait3A_52, %dma_wait3A_53] : memref<400x64xf32, #tpu.memory_space<vmem>> -> memref<200x64xf32, #tpu.memory_space<vmem>>
      %dma_wait3A_55 = arith.constant 200 : i32
      %dma_wait3A_56 = arith.constant 0 : i32
      %dma_wait3A_57 = tpu.memref_slice %arg9[%dma_wait3A_55, %dma_wait3A_56] : memref<400x64xf32, #tpu.memory_space<vmem>> -> memref<200x64xf32, #tpu.memory_space<vmem>>
      tpu.wait_dma2 semaphore(%run_scoped3A : memref<!tpu.dma_semaphore, #tpu.memory_space<semaphore_mem>>) src(%arg4 : memref<200x64xf32, #tpu.memory_space<hbm>>) dst(%dma_wait3A_57 : memref<200x64xf32, #tpu.memory_space<vmem>>)
      tpu.yield
    }) : () -> ()
    %add3A_3 = arith.constant 0 : i32
    %add3A_4 = arith.addi %mul3A_2, %add3A_3 : i32
    %dma_start3A = arith.constant 0 : i32
    %dma_start3A_5 = arith.constant 0 : i32
    %dma_start3A_6 = tpu.memref_slice %arg6[%dma_start3A, %dma_start3A_5] : memref<2x400xi32, #tpu.memory_space<vmem>> -> memref<1x400xi32, #tpu.memory_space<vmem>>
    %dma_start3A_7 = tpu.memref_squeeze %dma_start3A_6 : memref<1x400xi32, #tpu.memory_space<vmem>> -> memref<400xi32, #tpu.memory_space<vmem>>
    %dma_start3A_8 = tpu.memref_slice %arg2[%add3A_4] : memref<819200xi32, #tpu.memory_space<hbm>> -> memref<400xi32, #tpu.memory_space<hbm>>
    %dma_start3A_9 = arith.constant 0 : i32
    %dma_start3A_10 = tpu.memref_slice %arg6[%dma_start3A, %dma_start3A_9] : memref<2x400xi32, #tpu.memory_space<vmem>> -> memref<1x400xi32, #tpu.memory_space<vmem>>
    %dma_start3A_11 = tpu.memref_squeeze %dma_start3A_10 : memref<1x400xi32, #tpu.memory_space<vmem>> -> memref<400xi32, #tpu.memory_space<vmem>>
    %dma_start3A_12 = tpu.memref_slice %arg2[%add3A_4] : memref<819200xi32, #tpu.memory_space<hbm>> -> memref<400xi32, #tpu.memory_space<hbm>>
    tpu.enqueue_dma source(%dma_start3A_12 : memref<400xi32, #tpu.memory_space<hbm>>) target(%dma_start3A_11 : memref<400xi32, #tpu.memory_space<vmem>>) target_semaphore(%arg12 : memref<!tpu.dma_semaphore, #tpu.memory_space<semaphore_mem>>)
    %add3A_13 = arith.constant 400 : i32
    %add3A_14 = arith.addi %mul3A_2, %add3A_13 : i32
    %dma_start3A_15 = arith.constant 1 : i32
    %dma_start3A_16 = arith.constant 0 : i32
    %dma_start3A_17 = tpu.memref_slice %arg6[%dma_start3A_15, %dma_start3A_16] : memref<2x400xi32, #tpu.memory_space<vmem>> -> memref<1x400xi32, #tpu.memory_space<vmem>>
    %dma_start3A_18 = tpu.memref_squeeze %dma_start3A_17 : memref<1x400xi32, #tpu.memory_space<vmem>> -> memref<400xi32, #tpu.memory_space<vmem>>
    %dma_start3A_19 = tpu.memref_slice %arg2[%add3A_14] : memref<819200xi32, #tpu.memory_space<hbm>> -> memref<400xi32, #tpu.memory_space<hbm>>
    %dma_start3A_20 = arith.constant 0 : i32
    %dma_start3A_21 = tpu.memref_slice %arg6[%dma_start3A_15, %dma_start3A_20] : memref<2x400xi32, #tpu.memory_space<vmem>> -> memref<1x400xi32, #tpu.memory_space<vmem>>
    %dma_start3A_22 = tpu.memref_squeeze %dma_start3A_21 : memref<1x400xi32, #tpu.memory_space<vmem>> -> memref<400xi32, #tpu.memory_space<vmem>>
    %dma_start3A_23 = tpu.memref_slice %arg2[%add3A_14] : memref<819200xi32, #tpu.memory_space<hbm>> -> memref<400xi32, #tpu.memory_space<hbm>>
    tpu.enqueue_dma source(%dma_start3A_23 : memref<400xi32, #tpu.memory_space<hbm>>) target(%dma_start3A_22 : memref<400xi32, #tpu.memory_space<vmem>>) target_semaphore(%arg13 : memref<!tpu.dma_semaphore, #tpu.memory_space<semaphore_mem>>)
    %add3A_24 = arith.constant 0 : i32
    %add3A_25 = arith.addi %mul3A_2, %add3A_24 : i32
    %dma_wait3A = arith.constant 0 : i32
    %dma_wait3A_26 = arith.constant 0 : i32
    %dma_wait3A_27 = tpu.memref_slice %arg6[%dma_wait3A, %dma_wait3A_26] : memref<2x400xi32, #tpu.memory_space<vmem>> -> memref<1x400xi32, #tpu.memory_space<vmem>>
    %dma_wait3A_28 = tpu.memref_squeeze %dma_wait3A_27 : memref<1x400xi32, #tpu.memory_space<vmem>> -> memref<400xi32, #tpu.memory_space<vmem>>
    %dma_wait3A_29 = tpu.memref_slice %arg2[%add3A_25] : memref<819200xi32, #tpu.memory_space<hbm>> -> memref<400xi32, #tpu.memory_space<hbm>>
    %dma_wait3A_30 = arith.constant 0 : i32
    %dma_wait3A_31 = tpu.memref_slice %arg6[%dma_wait3A, %dma_wait3A_30] : memref<2x400xi32, #tpu.memory_space<vmem>> -> memref<1x400xi32, #tpu.memory_space<vmem>>
    %dma_wait3A_32 = tpu.memref_squeeze %dma_wait3A_31 : memref<1x400xi32, #tpu.memory_space<vmem>> -> memref<400xi32, #tpu.memory_space<vmem>>
    %dma_wait3A_33 = tpu.memref_slice %arg2[%add3A_25] : memref<819200xi32, #tpu.memory_space<hbm>> -> memref<400xi32, #tpu.memory_space<hbm>>
    tpu.wait_dma2 semaphore(%arg12 : memref<!tpu.dma_semaphore, #tpu.memory_space<semaphore_mem>>) src(%dma_wait3A_33 : memref<400xi32, #tpu.memory_space<hbm>>) dst(%dma_wait3A_32 : memref<400xi32, #tpu.memory_space<vmem>>)
    %dma_start3A_34 = arith.constant 0 : i32
    %dma_start3A_35 = arith.constant 0 : i32
    %dma_start3A_36 = tpu.memref_slice %arg6[%dma_start3A_34, %dma_start3A_35] : memref<2x400xi32, #tpu.memory_space<vmem>> -> memref<1x400xi32, #tpu.memory_space<vmem>>
    %dma_start3A_37 = tpu.memref_squeeze %dma_start3A_36 : memref<1x400xi32, #tpu.memory_space<vmem>> -> memref<400xi32, #tpu.memory_space<vmem>>
    %dma_start3A_38 = arith.constant 0 : i32
    %dma_start3A_39 = arith.constant 0 : i32
    %dma_start3A_40 = tpu.memref_slice %arg3[%dma_start3A_38, %dma_start3A_39] : memref<1000000x64xf32, #tpu.memory_space<hbm>> -> memref<1000000x64xf32, #tpu.memory_space<hbm>>
    tpu.enqueue_indirect_dma source(%dma_start3A_40 : memref<1000000x64xf32, #tpu.memory_space<hbm>>) target(%arg7 : memref<400x64xf32, #tpu.memory_space<vmem>>) offsets(%dma_start3A_37 : memref<400xi32, #tpu.memory_space<vmem>>) semaphore(%arg10 : memref<!tpu.dma_semaphore, #tpu.memory_space<semaphore_mem>>)
    %scan3A = arith.constant 0 : i32
    %scan3A_41 = arith.constant 0 : i32
    %scan3A_42 = arith.constant 32 : i32
    %scan3A_43 = arith.addi %scan3A_41, %scan3A_42 : i32
    %scan3A_44 = arith.constant 1 : i32
    scf.for %scan3A_46 = %scan3A_41 to %scan3A_43 step %scan3A_44  : i32 {
      %mul3A_47 = arith.constant 2 : i32
      %mul3A_48 = arith.muli %mul3A_47, %scan3A_46 : i32
      %dma_wait3A_49 = arith.constant 0 : i32
      %dma_wait3A_50 = arith.constant 0 : i32
      %dma_wait3A_51 = tpu.memref_slice %arg6[%dma_wait3A_49, %dma_wait3A_50] : memref<2x400xi32, #tpu.memory_space<vmem>> -> memref<1x400xi32, #tpu.memory_space<vmem>>
      %dma_wait3A_52 = tpu.memref_squeeze %dma_wait3A_51 : memref<1x400xi32, #tpu.memory_space<vmem>> -> memref<400xi32, #tpu.memory_space<vmem>>
      %dma_wait3A_53 = arith.constant 0 : i32
      %dma_wait3A_54 = arith.constant 0 : i32
      %dma_wait3A_55 = tpu.memref_slice %arg3[%dma_wait3A_53, %dma_wait3A_54] : memref<1000000x64xf32, #tpu.memory_space<hbm>> -> memref<1000000x64xf32, #tpu.memory_space<hbm>>
      tpu.wait_indirect_dma semaphore(%arg10 : memref<!tpu.dma_semaphore, #tpu.memory_space<semaphore_mem>>) src(%dma_wait3A_55 : memref<1000000x64xf32, #tpu.memory_space<hbm>>) dst(%arg7 : memref<400x64xf32, #tpu.memory_space<vmem>>)
      %add3A_56 = arith.constant 2 : i32
      %add3A_57 = arith.addi %mul3A_48, %add3A_56 : i32
      %lt3A = arith.constant 64 : i32
      %lt3A_58 = arith.cmpi slt, %add3A_57, %lt3A : i32
      %convert_element_type3A = arith.extui %lt3A_58 : i1 to i32
      %cond3A = arith.constant 0 : i32
      %cond3A_59 = arith.cmpi ne, %convert_element_type3A, %cond3A : i32
      scf.if %cond3A_59 {
        %add3A_110 = arith.constant 2 : i32
        %add3A_111 = arith.addi %mul3A_48, %add3A_110 : i32
        %mul3A_112 = arith.constant 400 : i32
        %mul3A_113 = arith.muli %add3A_111, %mul3A_112 : i32
        %add3A_114 = arith.addi %mul3A_2, %mul3A_113 : i32
        %dma_start3A_115 = arith.constant 0 : i32
        %dma_start3A_116 = arith.constant 0 : i32
        %dma_start3A_117 = tpu.memref_slice %arg6[%dma_start3A_115, %dma_start3A_116] : memref<2x400xi32, #tpu.memory_space<vmem>> -> memref<1x400xi32, #tpu.memory_space<vmem>>
        %dma_start3A_118 = tpu.memref_squeeze %dma_start3A_117 : memref<1x400xi32, #tpu.memory_space<vmem>> -> memref<400xi32, #tpu.memory_space<vmem>>
        %dma_start3A_119 = tpu.memref_slice %arg2[%add3A_114] : memref<819200xi32, #tpu.memory_space<hbm>> -> memref<400xi32, #tpu.memory_space<hbm>>
        %dma_start3A_120 = arith.constant 0 : i32
        %dma_start3A_121 = tpu.memref_slice %arg6[%dma_start3A_115, %dma_start3A_120] : memref<2x400xi32, #tpu.memory_space<vmem>> -> memref<1x400xi32, #tpu.memory_space<vmem>>
        %dma_start3A_122 = tpu.memref_squeeze %dma_start3A_121 : memref<1x400xi32, #tpu.memory_space<vmem>> -> memref<400xi32, #tpu.memory_space<vmem>>
        %dma_start3A_123 = tpu.memref_slice %arg2[%add3A_114] : memref<819200xi32, #tpu.memory_space<hbm>> -> memref<400xi32, #tpu.memory_space<hbm>>
        tpu.enqueue_dma source(%dma_start3A_123 : memref<400xi32, #tpu.memory_space<hbm>>) target(%dma_start3A_122 : memref<400xi32, #tpu.memory_space<vmem>>) target_semaphore(%arg12 : memref<!tpu.dma_semaphore, #tpu.memory_space<semaphore_mem>>)
      } else {
      }
      %add3A_60 = arith.constant 1 : i32
      %add3A_61 = arith.addi %mul3A_48, %add3A_60 : i32
      %lt3A_62 = arith.constant 64 : i32
      %lt3A_63 = arith.cmpi slt, %add3A_61, %lt3A_62 : i32
      %convert_element_type3A_64 = arith.extui %lt3A_63 : i1 to i32
      %cond3A_65 = arith.constant 0 : i32
      %cond3A_66 = arith.cmpi ne, %convert_element_type3A_64, %cond3A_65 : i32
      scf.if %cond3A_66 {
        %add3A_110 = arith.constant 1 : i32
        %add3A_111 = arith.addi %mul3A_48, %add3A_110 : i32
        %mul3A_112 = arith.constant 400 : i32
        %mul3A_113 = arith.muli %add3A_111, %mul3A_112 : i32
        %add3A_114 = arith.addi %mul3A_2, %mul3A_113 : i32
        %dma_wait3A_115 = arith.constant 1 : i32
        %dma_wait3A_116 = arith.constant 0 : i32
        %dma_wait3A_117 = tpu.memref_slice %arg6[%dma_wait3A_115, %dma_wait3A_116] : memref<2x400xi32, #tpu.memory_space<vmem>> -> memref<1x400xi32, #tpu.memory_space<vmem>>
        %dma_wait3A_118 = tpu.memref_squeeze %dma_wait3A_117 : memref<1x400xi32, #tpu.memory_space<vmem>> -> memref<400xi32, #tpu.memory_space<vmem>>
        %dma_wait3A_119 = tpu.memref_slice %arg2[%add3A_114] : memref<819200xi32, #tpu.memory_space<hbm>> -> memref<400xi32, #tpu.memory_space<hbm>>
        %dma_wait3A_120 = arith.constant 0 : i32
        %dma_wait3A_121 = tpu.memref_slice %arg6[%dma_wait3A_115, %dma_wait3A_120] : memref<2x400xi32, #tpu.memory_space<vmem>> -> memref<1x400xi32, #tpu.memory_space<vmem>>
        %dma_wait3A_122 = tpu.memref_squeeze %dma_wait3A_121 : memref<1x400xi32, #tpu.memory_space<vmem>> -> memref<400xi32, #tpu.memory_space<vmem>>
        %dma_wait3A_123 = tpu.memref_slice %arg2[%add3A_114] : memref<819200xi32, #tpu.memory_space<hbm>> -> memref<400xi32, #tpu.memory_space<hbm>>
        tpu.wait_dma2 semaphore(%arg13 : memref<!tpu.dma_semaphore, #tpu.memory_space<semaphore_mem>>) src(%dma_wait3A_123 : memref<400xi32, #tpu.memory_space<hbm>>) dst(%dma_wait3A_122 : memref<400xi32, #tpu.memory_space<vmem>>)
        %add3A_124 = arith.constant 1 : i32
        %add3A_125 = arith.addi %mul3A_48, %add3A_124 : i32
        %dma_start3A_126 = arith.constant 1 : i32
        %dma_start3A_127 = arith.constant 0 : i32
        %dma_start3A_128 = tpu.memref_slice %arg6[%dma_start3A_126, %dma_start3A_127] : memref<2x400xi32, #tpu.memory_space<vmem>> -> memref<1x400xi32, #tpu.memory_space<vmem>>
        %dma_start3A_129 = tpu.memref_squeeze %dma_start3A_128 : memref<1x400xi32, #tpu.memory_space<vmem>> -> memref<400xi32, #tpu.memory_space<vmem>>
        %dma_start3A_130 = arith.constant 0 : i32
        %dma_start3A_131 = arith.constant 0 : i32
        %dma_start3A_132 = tpu.memref_slice %arg3[%dma_start3A_130, %dma_start3A_131] : memref<1000000x64xf32, #tpu.memory_space<hbm>> -> memref<1000000x64xf32, #tpu.memory_space<hbm>>
        tpu.enqueue_indirect_dma source(%dma_start3A_132 : memref<1000000x64xf32, #tpu.memory_space<hbm>>) target(%arg8 : memref<400x64xf32, #tpu.memory_space<vmem>>) offsets(%dma_start3A_129 : memref<400xi32, #tpu.memory_space<vmem>>) semaphore(%arg11 : memref<!tpu.dma_semaphore, #tpu.memory_space<semaphore_mem>>)
      } else {
      }
      %scan3A_67 = arith.constant 0 : i32
      %scan3A_68 = arith.constant 0 : i32
      %scan3A_69 = arith.constant 400 : i32
      %scan3A_70 = arith.addi %scan3A_68, %scan3A_69 : i32
      %scan3A_71 = arith.constant 4 : i32
      scf.for %scan3A_110 = %scan3A_68 to %scan3A_70 step %scan3A_71  : i32 {
        %get3A = arith.index_cast %scan3A_110 : i32 to index
        %get3A_111 = arith.constant 0 : index
        %get3A_112 = tpu.vector_load %arg9[%get3A, %get3A_111] {strides = array<i32>} : memref<400x64xf32, #tpu.memory_space<vmem>>, vector<1x16xf32>,
        %get3A_113 = vector.shape_cast %get3A_112 : vector<1x16xf32> to vector<16xf32>
        %swap3A = arith.index_cast %scan3A_110 : i32 to index
        %swap3A_114 = arith.constant 0 : index
        %swap3A_115 = tpu.vector_load %arg7[%swap3A, %swap3A_114] {strides = array<i32>} : memref<400x64xf32, #tpu.memory_space<vmem>>, vector<1x16xf32>,
        %swap3A_116 = vector.shape_cast %swap3A_115 : vector<1x16xf32> to vector<16xf32>
        %swap3A_117 = vector.shape_cast %get3A_113 : vector<16xf32> to vector<1x16xf32>
        tpu.vector_store %arg7[%swap3A, %swap3A_114], %swap3A_117 {add = true, strides = array<i32>} : memref<400x64xf32, #tpu.memory_space<vmem>>, vector<1x16xf32>,
        %get3A_118 = arith.index_cast %scan3A_110 : i32 to index
        %get3A_119 = arith.constant 16 : index
        %get3A_120 = tpu.vector_load %arg9[%get3A_118, %get3A_119] {strides = array<i32>} : memref<400x64xf32, #tpu.memory_space<vmem>>, vector<1x16xf32>,
        %get3A_121 = vector.shape_cast %get3A_120 : vector<1x16xf32> to vector<16xf32>
        %swap3A_122 = arith.index_cast %scan3A_110 : i32 to index
        %swap3A_123 = arith.constant 16 : index
        %swap3A_124 = tpu.vector_load %arg7[%swap3A_122, %swap3A_123] {strides = array<i32>} : memref<400x64xf32, #tpu.memory_space<vmem>>, vector<1x16xf32>,
        %swap3A_125 = vector.shape_cast %swap3A_124 : vector<1x16xf32> to vector<16xf32>
        %swap3A_126 = vector.shape_cast %get3A_121 : vector<16xf32> to vector<1x16xf32>
        tpu.vector_store %arg7[%swap3A_122, %swap3A_123], %swap3A_126 {add = true, strides = array<i32>} : memref<400x64xf32, #tpu.memory_space<vmem>>, vector<1x16xf32>,
        %get3A_127 = arith.index_cast %scan3A_110 : i32 to index
        %get3A_128 = arith.constant 32 : index
        %get3A_129 = tpu.vector_load %arg9[%get3A_127, %get3A_128] {strides = array<i32>} : memref<400x64xf32, #tpu.memory_space<vmem>>, vector<1x16xf32>,
        %get3A_130 = vector.shape_cast %get3A_129 : vector<1x16xf32> to vector<16xf32>
        %swap3A_131 = arith.index_cast %scan3A_110 : i32 to index
        %swap3A_132 = arith.constant 32 : index
        %swap3A_133 = tpu.vector_load %arg7[%swap3A_131, %swap3A_132] {strides = array<i32>} : memref<400x64xf32, #tpu.memory_space<vmem>>, vector<1x16xf32>,
        %swap3A_134 = vector.shape_cast %swap3A_133 : vector<1x16xf32> to vector<16xf32>
        %swap3A_135 = vector.shape_cast %get3A_130 : vector<16xf32> to vector<1x16xf32>
        tpu.vector_store %arg7[%swap3A_131, %swap3A_132], %swap3A_135 {add = true, strides = array<i32>} : memref<400x64xf32, #tpu.memory_space<vmem>>, vector<1x16xf32>,
        %get3A_136 = arith.index_cast %scan3A_110 : i32 to index
        %get3A_137 = arith.constant 48 : index
        %get3A_138 = tpu.vector_load %arg9[%get3A_136, %get3A_137] {strides = array<i32>} : memref<400x64xf32, #tpu.memory_space<vmem>>, vector<1x16xf32>,
        %get3A_139 = vector.shape_cast %get3A_138 : vector<1x16xf32> to vector<16xf32>
        %swap3A_140 = arith.index_cast %scan3A_110 : i32 to index
        %swap3A_141 = arith.constant 48 : index
        %swap3A_142 = tpu.vector_load %arg7[%swap3A_140, %swap3A_141] {strides = array<i32>} : memref<400x64xf32, #tpu.memory_space<vmem>>, vector<1x16xf32>,
        %swap3A_143 = vector.shape_cast %swap3A_142 : vector<1x16xf32> to vector<16xf32>
        %swap3A_144 = vector.shape_cast %get3A_139 : vector<16xf32> to vector<1x16xf32>
        tpu.vector_store %arg7[%swap3A_140, %swap3A_141], %swap3A_144 {add = true, strides = array<i32>} : memref<400x64xf32, #tpu.memory_space<vmem>>, vector<1x16xf32>,
        %scan3A_145 = arith.constant 1 : i32
        %scan3A_146 = arith.addi %scan3A_110, %scan3A_145 : i32
        %get3A_147 = arith.index_cast %scan3A_146 : i32 to index
        %get3A_148 = arith.constant 0 : index
        %get3A_149 = tpu.vector_load %arg9[%get3A_147, %get3A_148] {strides = array<i32>} : memref<400x64xf32, #tpu.memory_space<vmem>>, vector<1x16xf32>,
        %get3A_150 = vector.shape_cast %get3A_149 : vector<1x16xf32> to vector<16xf32>
        %swap3A_151 = arith.index_cast %scan3A_146 : i32 to index
        %swap3A_152 = arith.constant 0 : index
        %swap3A_153 = tpu.vector_load %arg7[%swap3A_151, %swap3A_152] {strides = array<i32>} : memref<400x64xf32, #tpu.memory_space<vmem>>, vector<1x16xf32>,
        %swap3A_154 = vector.shape_cast %swap3A_153 : vector<1x16xf32> to vector<16xf32>
        %swap3A_155 = vector.shape_cast %get3A_150 : vector<16xf32> to vector<1x16xf32>
        tpu.vector_store %arg7[%swap3A_151, %swap3A_152], %swap3A_155 {add = true, strides = array<i32>} : memref<400x64xf32, #tpu.memory_space<vmem>>, vector<1x16xf32>,
        %get3A_156 = arith.index_cast %scan3A_146 : i32 to index
        %get3A_157 = arith.constant 16 : index
        %get3A_158 = tpu.vector_load %arg9[%get3A_156, %get3A_157] {strides = array<i32>} : memref<400x64xf32, #tpu.memory_space<vmem>>, vector<1x16xf32>,
        %get3A_159 = vector.shape_cast %get3A_158 : vector<1x16xf32> to vector<16xf32>
        %swap3A_160 = arith.index_cast %scan3A_146 : i32 to index
        %swap3A_161 = arith.constant 16 : index
        %swap3A_162 = tpu.vector_load %arg7[%swap3A_160, %swap3A_161] {strides = array<i32>} : memref<400x64xf32, #tpu.memory_space<vmem>>, vector<1x16xf32>,
        %swap3A_163 = vector.shape_cast %swap3A_162 : vector<1x16xf32> to vector<16xf32>
        %swap3A_164 = vector.shape_cast %get3A_159 : vector<16xf32> to vector<1x16xf32>
        tpu.vector_store %arg7[%swap3A_160, %swap3A_161], %swap3A_164 {add = true, strides = array<i32>} : memref<400x64xf32, #tpu.memory_space<vmem>>, vector<1x16xf32>,
        %get3A_165 = arith.index_cast %scan3A_146 : i32 to index
        %get3A_166 = arith.constant 32 : index
        %get3A_167 = tpu.vector_load %arg9[%get3A_165, %get3A_166] {strides = array<i32>} : memref<400x64xf32, #tpu.memory_space<vmem>>, vector<1x16xf32>,
        %get3A_168 = vector.shape_cast %get3A_167 : vector<1x16xf32> to vector<16xf32>
        %swap3A_169 = arith.index_cast %scan3A_146 : i32 to index
        %swap3A_170 = arith.constant 32 : index
        %swap3A_171 = tpu.vector_load %arg7[%swap3A_169, %swap3A_170] {strides = array<i32>} : memref<400x64xf32, #tpu.memory_space<vmem>>, vector<1x16xf32>,
        %swap3A_172 = vector.shape_cast %swap3A_171 : vector<1x16xf32> to vector<16xf32>
        %swap3A_173 = vector.shape_cast %get3A_168 : vector<16xf32> to vector<1x16xf32>
        tpu.vector_store %arg7[%swap3A_169, %swap3A_170], %swap3A_173 {add = true, strides = array<i32>} : memref<400x64xf32, #tpu.memory_space<vmem>>, vector<1x16xf32>,
        %get3A_174 = arith.index_cast %scan3A_146 : i32 to index
        %get3A_175 = arith.constant 48 : index
        %get3A_176 = tpu.vector_load %arg9[%get3A_174, %get3A_175] {strides = array<i32>} : memref<400x64xf32, #tpu.memory_space<vmem>>, vector<1x16xf32>,
        %get3A_177 = vector.shape_cast %get3A_176 : vector<1x16xf32> to vector<16xf32>
        %swap3A_178 = arith.index_cast %scan3A_146 : i32 to index
        %swap3A_179 = arith.constant 48 : index
        %swap3A_180 = tpu.vector_load %arg7[%swap3A_178, %swap3A_179] {strides = array<i32>} : memref<400x64xf32, #tpu.memory_space<vmem>>, vector<1x16xf32>,
        %swap3A_181 = vector.shape_cast %swap3A_180 : vector<1x16xf32> to vector<16xf32>
        %swap3A_182 = vector.shape_cast %get3A_177 : vector<16xf32> to vector<1x16xf32>
        tpu.vector_store %arg7[%swap3A_178, %swap3A_179], %swap3A_182 {add = true, strides = array<i32>} : memref<400x64xf32, #tpu.memory_space<vmem>>, vector<1x16xf32>,
        %scan3A_183 = arith.constant 2 : i32
        %scan3A_184 = arith.addi %scan3A_110, %scan3A_183 : i32
        %get3A_185 = arith.index_cast %scan3A_184 : i32 to index
        %get3A_186 = arith.constant 0 : index
        %get3A_187 = tpu.vector_load %arg9[%get3A_185, %get3A_186] {strides = array<i32>} : memref<400x64xf32, #tpu.memory_space<vmem>>, vector<1x16xf32>,
        %get3A_188 = vector.shape_cast %get3A_187 : vector<1x16xf32> to vector<16xf32>
        %swap3A_189 = arith.index_cast %scan3A_184 : i32 to index
        %swap3A_190 = arith.constant 0 : index
        %swap3A_191 = tpu.vector_load %arg7[%swap3A_189, %swap3A_190] {strides = array<i32>} : memref<400x64xf32, #tpu.memory_space<vmem>>, vector<1x16xf32>,
        %swap3A_192 = vector.shape_cast %swap3A_191 : vector<1x16xf32> to vector<16xf32>
        %swap3A_193 = vector.shape_cast %get3A_188 : vector<16xf32> to vector<1x16xf32>
        tpu.vector_store %arg7[%swap3A_189, %swap3A_190], %swap3A_193 {add = true, strides = array<i32>} : memref<400x64xf32, #tpu.memory_space<vmem>>, vector<1x16xf32>,
        %get3A_194 = arith.index_cast %scan3A_184 : i32 to index
        %get3A_195 = arith.constant 16 : index
        %get3A_196 = tpu.vector_load %arg9[%get3A_194, %get3A_195] {strides = array<i32>} : memref<400x64xf32, #tpu.memory_space<vmem>>, vector<1x16xf32>,
        %get3A_197 = vector.shape_cast %get3A_196 : vector<1x16xf32> to vector<16xf32>
        %swap3A_198 = arith.index_cast %scan3A_184 : i32 to index
        %swap3A_199 = arith.constant 16 : index
        %swap3A_200 = tpu.vector_load %arg7[%swap3A_198, %swap3A_199] {strides = array<i32>} : memref<400x64xf32, #tpu.memory_space<vmem>>, vector<1x16xf32>,
        %swap3A_201 = vector.shape_cast %swap3A_200 : vector<1x16xf32> to vector<16xf32>
        %swap3A_202 = vector.shape_cast %get3A_197 : vector<16xf32> to vector<1x16xf32>
        tpu.vector_store %arg7[%swap3A_198, %swap3A_199], %swap3A_202 {add = true, strides = array<i32>} : memref<400x64xf32, #tpu.memory_space<vmem>>, vector<1x16xf32>,
        %get3A_203 = arith.index_cast %scan3A_184 : i32 to index
        %get3A_204 = arith.constant 32 : index
        %get3A_205 = tpu.vector_load %arg9[%get3A_203, %get3A_204] {strides = array<i32>} : memref<400x64xf32, #tpu.memory_space<vmem>>, vector<1x16xf32>,
        %get3A_206 = vector.shape_cast %get3A_205 : vector<1x16xf32> to vector<16xf32>
        %swap3A_207 = arith.index_cast %scan3A_184 : i32 to index
        %swap3A_208 = arith.constant 32 : index
        %swap3A_209 = tpu.vector_load %arg7[%swap3A_207, %swap3A_208] {strides = array<i32>} : memref<400x64xf32, #tpu.memory_space<vmem>>, vector<1x16xf32>,
        %swap3A_210 = vector.shape_cast %swap3A_209 : vector<1x16xf32> to vector<16xf32>
        %swap3A_211 = vector.shape_cast %get3A_206 : vector<16xf32> to vector<1x16xf32>
        tpu.vector_store %arg7[%swap3A_207, %swap3A_208], %swap3A_211 {add = true, strides = array<i32>} : memref<400x64xf32, #tpu.memory_space<vmem>>, vector<1x16xf32>,
        %get3A_212 = arith.index_cast %scan3A_184 : i32 to index
        %get3A_213 = arith.constant 48 : index
        %get3A_214 = tpu.vector_load %arg9[%get3A_212, %get3A_213] {strides = array<i32>} : memref<400x64xf32, #tpu.memory_space<vmem>>, vector<1x16xf32>,
        %get3A_215 = vector.shape_cast %get3A_214 : vector<1x16xf32> to vector<16xf32>
        %swap3A_216 = arith.index_cast %scan3A_184 : i32 to index
        %swap3A_217 = arith.constant 48 : index
        %swap3A_218 = tpu.vector_load %arg7[%swap3A_216, %swap3A_217] {strides = array<i32>} : memref<400x64xf32, #tpu.memory_space<vmem>>, vector<1x16xf32>,
        %swap3A_219 = vector.shape_cast %swap3A_218 : vector<1x16xf32> to vector<16xf32>
        %swap3A_220 = vector.shape_cast %get3A_215 : vector<16xf32> to vector<1x16xf32>
        tpu.vector_store %arg7[%swap3A_216, %swap3A_217], %swap3A_220 {add = true, strides = array<i32>} : memref<400x64xf32, #tpu.memory_space<vmem>>, vector<1x16xf32>,
        %scan3A_221 = arith.constant 3 : i32
        %scan3A_222 = arith.addi %scan3A_110, %scan3A_221 : i32
        %get3A_223 = arith.index_cast %scan3A_222 : i32 to index
        %get3A_224 = arith.constant 0 : index
        %get3A_225 = tpu.vector_load %arg9[%get3A_223, %get3A_224] {strides = array<i32>} : memref<400x64xf32, #tpu.memory_space<vmem>>, vector<1x16xf32>,
        %get3A_226 = vector.shape_cast %get3A_225 : vector<1x16xf32> to vector<16xf32>
        %swap3A_227 = arith.index_cast %scan3A_222 : i32 to index
        %swap3A_228 = arith.constant 0 : index
        %swap3A_229 = tpu.vector_load %arg7[%swap3A_227, %swap3A_228] {strides = array<i32>} : memref<400x64xf32, #tpu.memory_space<vmem>>, vector<1x16xf32>,
        %swap3A_230 = vector.shape_cast %swap3A_229 : vector<1x16xf32> to vector<16xf32>
        %swap3A_231 = vector.shape_cast %get3A_226 : vector<16xf32> to vector<1x16xf32>
        tpu.vector_store %arg7[%swap3A_227, %swap3A_228], %swap3A_231 {add = true, strides = array<i32>} : memref<400x64xf32, #tpu.memory_space<vmem>>, vector<1x16xf32>,
        %get3A_232 = arith.index_cast %scan3A_222 : i32 to index
        %get3A_233 = arith.constant 16 : index
        %get3A_234 = tpu.vector_load %arg9[%get3A_232, %get3A_233] {strides = array<i32>} : memref<400x64xf32, #tpu.memory_space<vmem>>, vector<1x16xf32>,
        %get3A_235 = vector.shape_cast %get3A_234 : vector<1x16xf32> to vector<16xf32>
        %swap3A_236 = arith.index_cast %scan3A_222 : i32 to index
        %swap3A_237 = arith.constant 16 : index
        %swap3A_238 = tpu.vector_load %arg7[%swap3A_236, %swap3A_237] {strides = array<i32>} : memref<400x64xf32, #tpu.memory_space<vmem>>, vector<1x16xf32>,
        %swap3A_239 = vector.shape_cast %swap3A_238 : vector<1x16xf32> to vector<16xf32>
        %swap3A_240 = vector.shape_cast %get3A_235 : vector<16xf32> to vector<1x16xf32>
        tpu.vector_store %arg7[%swap3A_236, %swap3A_237], %swap3A_240 {add = true, strides = array<i32>} : memref<400x64xf32, #tpu.memory_space<vmem>>, vector<1x16xf32>,
        %get3A_241 = arith.index_cast %scan3A_222 : i32 to index
        %get3A_242 = arith.constant 32 : index
        %get3A_243 = tpu.vector_load %arg9[%get3A_241, %get3A_242] {strides = array<i32>} : memref<400x64xf32, #tpu.memory_space<vmem>>, vector<1x16xf32>,
        %get3A_244 = vector.shape_cast %get3A_243 : vector<1x16xf32> to vector<16xf32>
        %swap3A_245 = arith.index_cast %scan3A_222 : i32 to index
        %swap3A_246 = arith.constant 32 : index
        %swap3A_247 = tpu.vector_load %arg7[%swap3A_245, %swap3A_246] {strides = array<i32>} : memref<400x64xf32, #tpu.memory_space<vmem>>, vector<1x16xf32>,
        %swap3A_248 = vector.shape_cast %swap3A_247 : vector<1x16xf32> to vector<16xf32>
        %swap3A_249 = vector.shape_cast %get3A_244 : vector<16xf32> to vector<1x16xf32>
        tpu.vector_store %arg7[%swap3A_245, %swap3A_246], %swap3A_249 {add = true, strides = array<i32>} : memref<400x64xf32, #tpu.memory_space<vmem>>, vector<1x16xf32>,
        %get3A_250 = arith.index_cast %scan3A_222 : i32 to index
        %get3A_251 = arith.constant 48 : index
        %get3A_252 = tpu.vector_load %arg9[%get3A_250, %get3A_251] {strides = array<i32>} : memref<400x64xf32, #tpu.memory_space<vmem>>, vector<1x16xf32>,
        %get3A_253 = vector.shape_cast %get3A_252 : vector<1x16xf32> to vector<16xf32>
        %swap3A_254 = arith.index_cast %scan3A_222 : i32 to index
        %swap3A_255 = arith.constant 48 : index
        %swap3A_256 = tpu.vector_load %arg7[%swap3A_254, %swap3A_255] {strides = array<i32>} : memref<400x64xf32, #tpu.memory_space<vmem>>, vector<1x16xf32>,
        %swap3A_257 = vector.shape_cast %swap3A_256 : vector<1x16xf32> to vector<16xf32>
        %swap3A_258 = vector.shape_cast %get3A_253 : vector<16xf32> to vector<1x16xf32>
        tpu.vector_store %arg7[%swap3A_254, %swap3A_255], %swap3A_258 {add = true, strides = array<i32>} : memref<400x64xf32, #tpu.memory_space<vmem>>, vector<1x16xf32>,
      }
      %scan3A_72 = arith.constant 400 : i32
      %mul3A_73 = arith.constant 400 : i32
      %mul3A_74 = arith.muli %mul3A_48, %mul3A_73 : i32
      %add3A_75 = arith.addi %mul3A_2, %mul3A_74 : i32
      "tpu.region"() ({
        %run_scoped3A = tpu.sem_alloc : memref<!tpu.dma_semaphore, #tpu.memory_space<semaphore_mem>>
        %dma_start3A_110 = arith.constant 0 : i32
        %dma_start3A_111 = tpu.memref_slice %arg5[%add3A_75, %dma_start3A_110] : memref<819200x64xf32, #tpu.memory_space<hbm>> -> memref<400x64xf32, #tpu.memory_space<hbm>>
        %dma_start3A_112 = arith.constant 0 : i32
        %dma_start3A_113 = tpu.memref_slice %arg5[%add3A_75, %dma_start3A_112] : memref<819200x64xf32, #tpu.memory_space<hbm>> -> memref<400x64xf32, #tpu.memory_space<hbm>>
        tpu.enqueue_dma source(%arg7 : memref<400x64xf32, #tpu.memory_space<vmem>>) target(%dma_start3A_113 : memref<400x64xf32, #tpu.memory_space<hbm>>) target_semaphore(%run_scoped3A : memref<!tpu.dma_semaphore, #tpu.memory_space<semaphore_mem>>)
        %dma_wait3A_114 = arith.constant 0 : i32
        %dma_wait3A_115 = tpu.memref_slice %arg5[%add3A_75, %dma_wait3A_114] : memref<819200x64xf32, #tpu.memory_space<hbm>> -> memref<400x64xf32, #tpu.memory_space<hbm>>
        %dma_wait3A_116 = arith.constant 0 : i32
        %dma_wait3A_117 = tpu.memref_slice %arg5[%add3A_75, %dma_wait3A_116] : memref<819200x64xf32, #tpu.memory_space<hbm>> -> memref<400x64xf32, #tpu.memory_space<hbm>>
        tpu.wait_dma2 semaphore(%run_scoped3A : memref<!tpu.dma_semaphore, #tpu.memory_space<semaphore_mem>>) src(%arg7 : memref<400x64xf32, #tpu.memory_space<vmem>>) dst(%dma_wait3A_117 : memref<400x64xf32, #tpu.memory_space<hbm>>)
        tpu.yield
      }) : () -> ()
      %mul3A_76 = arith.constant 2 : i32
      %mul3A_77 = arith.muli %mul3A_76, %scan3A_46 : i32
      %add3A_78 = arith.constant 1 : i32
      %add3A_79 = arith.addi %mul3A_77, %add3A_78 : i32
      %dma_wait3A_80 = arith.constant 1 : i32
      %dma_wait3A_81 = arith.constant 0 : i32
      %dma_wait3A_82 = tpu.memref_slice %arg6[%dma_wait3A_80, %dma_wait3A_81] : memref<2x400xi32, #tpu.memory_space<vmem>> -> memref<1x400xi32, #tpu.memory_space<vmem>>
      %dma_wait3A_83 = tpu.memref_squeeze %dma_wait3A_82 : memref<1x400xi32, #tpu.memory_space<vmem>> -> memref<400xi32, #tpu.memory_space<vmem>>
      %dma_wait3A_84 = arith.constant 0 : i32
      %dma_wait3A_85 = arith.constant 0 : i32
      %dma_wait3A_86 = tpu.memref_slice %arg3[%dma_wait3A_84, %dma_wait3A_85] : memref<1000000x64xf32, #tpu.memory_space<hbm>> -> memref<1000000x64xf32, #tpu.memory_space<hbm>>
      tpu.wait_indirect_dma semaphore(%arg11 : memref<!tpu.dma_semaphore, #tpu.memory_space<semaphore_mem>>) src(%dma_wait3A_86 : memref<1000000x64xf32, #tpu.memory_space<hbm>>) dst(%arg8 : memref<400x64xf32, #tpu.memory_space<vmem>>)
      %add3A_87 = arith.constant 2 : i32
      %add3A_88 = arith.addi %add3A_79, %add3A_87 : i32
      %lt3A_89 = arith.constant 64 : i32
      %lt3A_90 = arith.cmpi slt, %add3A_88, %lt3A_89 : i32
      %convert_element_type3A_91 = arith.extui %lt3A_90 : i1 to i32
      %cond3A_92 = arith.constant 0 : i32
      %cond3A_93 = arith.cmpi ne, %convert_element_type3A_91, %cond3A_92 : i32
      scf.if %cond3A_93 {
        %add3A_110 = arith.constant 2 : i32
        %add3A_111 = arith.addi %add3A_79, %add3A_110 : i32
        %mul3A_112 = arith.constant 400 : i32
        %mul3A_113 = arith.muli %add3A_111, %mul3A_112 : i32
        %add3A_114 = arith.addi %mul3A_2, %mul3A_113 : i32
        %dma_start3A_115 = arith.constant 1 : i32
        %dma_start3A_116 = arith.constant 0 : i32
        %dma_start3A_117 = tpu.memref_slice %arg6[%dma_start3A_115, %dma_start3A_116] : memref<2x400xi32, #tpu.memory_space<vmem>> -> memref<1x400xi32, #tpu.memory_space<vmem>>
        %dma_start3A_118 = tpu.memref_squeeze %dma_start3A_117 : memref<1x400xi32, #tpu.memory_space<vmem>> -> memref<400xi32, #tpu.memory_space<vmem>>
        %dma_start3A_119 = tpu.memref_slice %arg2[%add3A_114] : memref<819200xi32, #tpu.memory_space<hbm>> -> memref<400xi32, #tpu.memory_space<hbm>>
        %dma_start3A_120 = arith.constant 0 : i32
        %dma_start3A_121 = tpu.memref_slice %arg6[%dma_start3A_115, %dma_start3A_120] : memref<2x400xi32, #tpu.memory_space<vmem>> -> memref<1x400xi32, #tpu.memory_space<vmem>>
        %dma_start3A_122 = tpu.memref_squeeze %dma_start3A_121 : memref<1x400xi32, #tpu.memory_space<vmem>> -> memref<400xi32, #tpu.memory_space<vmem>>
        %dma_start3A_123 = tpu.memref_slice %arg2[%add3A_114] : memref<819200xi32, #tpu.memory_space<hbm>> -> memref<400xi32, #tpu.memory_space<hbm>>
        tpu.enqueue_dma source(%dma_start3A_123 : memref<400xi32, #tpu.memory_space<hbm>>) target(%dma_start3A_122 : memref<400xi32, #tpu.memory_space<vmem>>) target_semaphore(%arg13 : memref<!tpu.dma_semaphore, #tpu.memory_space<semaphore_mem>>)
      } else {
      }
      %add3A_94 = arith.constant 1 : i32
      %add3A_95 = arith.addi %add3A_79, %add3A_94 : i32
      %lt3A_96 = arith.constant 64 : i32
      %lt3A_97 = arith.cmpi slt, %add3A_95, %lt3A_96 : i32
      %convert_element_type3A_98 = arith.extui %lt3A_97 : i1 to i32
      %cond3A_99 = arith.constant 0 : i32
      %cond3A_100 = arith.cmpi ne, %convert_element_type3A_98, %cond3A_99 : i32
      scf.if %cond3A_100 {
        %add3A_110 = arith.constant 1 : i32
        %add3A_111 = arith.addi %add3A_79, %add3A_110 : i32
        %mul3A_112 = arith.constant 400 : i32
        %mul3A_113 = arith.muli %add3A_111, %mul3A_112 : i32
        %add3A_114 = arith.addi %mul3A_2, %mul3A_113 : i32
        %dma_wait3A_115 = arith.constant 0 : i32
        %dma_wait3A_116 = arith.constant 0 : i32
        %dma_wait3A_117 = tpu.memref_slice %arg6[%dma_wait3A_115, %dma_wait3A_116] : memref<2x400xi32, #tpu.memory_space<vmem>> -> memref<1x400xi32, #tpu.memory_space<vmem>>
        %dma_wait3A_118 = tpu.memref_squeeze %dma_wait3A_117 : memref<1x400xi32, #tpu.memory_space<vmem>> -> memref<400xi32, #tpu.memory_space<vmem>>
        %dma_wait3A_119 = tpu.memref_slice %arg2[%add3A_114] : memref<819200xi32, #tpu.memory_space<hbm>> -> memref<400xi32, #tpu.memory_space<hbm>>
        %dma_wait3A_120 = arith.constant 0 : i32
        %dma_wait3A_121 = tpu.memref_slice %arg6[%dma_wait3A_115, %dma_wait3A_120] : memref<2x400xi32, #tpu.memory_space<vmem>> -> memref<1x400xi32, #tpu.memory_space<vmem>>
        %dma_wait3A_122 = tpu.memref_squeeze %dma_wait3A_121 : memref<1x400xi32, #tpu.memory_space<vmem>> -> memref<400xi32, #tpu.memory_space<vmem>>
        %dma_wait3A_123 = tpu.memref_slice %arg2[%add3A_114] : memref<819200xi32, #tpu.memory_space<hbm>> -> memref<400xi32, #tpu.memory_space<hbm>>
        tpu.wait_dma2 semaphore(%arg12 : memref<!tpu.dma_semaphore, #tpu.memory_space<semaphore_mem>>) src(%dma_wait3A_123 : memref<400xi32, #tpu.memory_space<hbm>>) dst(%dma_wait3A_122 : memref<400xi32, #tpu.memory_space<vmem>>)
        %add3A_124 = arith.constant 1 : i32
        %add3A_125 = arith.addi %add3A_79, %add3A_124 : i32
        %dma_start3A_126 = arith.constant 0 : i32
        %dma_start3A_127 = arith.constant 0 : i32
        %dma_start3A_128 = tpu.memref_slice %arg6[%dma_start3A_126, %dma_start3A_127] : memref<2x400xi32, #tpu.memory_space<vmem>> -> memref<1x400xi32, #tpu.memory_space<vmem>>
        %dma_start3A_129 = tpu.memref_squeeze %dma_start3A_128 : memref<1x400xi32, #tpu.memory_space<vmem>> -> memref<400xi32, #tpu.memory_space<vmem>>
        %dma_start3A_130 = arith.constant 0 : i32
        %dma_start3A_131 = arith.constant 0 : i32
        %dma_start3A_132 = tpu.memref_slice %arg3[%dma_start3A_130, %dma_start3A_131] : memref<1000000x64xf32, #tpu.memory_space<hbm>> -> memref<1000000x64xf32, #tpu.memory_space<hbm>>
        tpu.enqueue_indirect_dma source(%dma_start3A_132 : memref<1000000x64xf32, #tpu.memory_space<hbm>>) target(%arg7 : memref<400x64xf32, #tpu.memory_space<vmem>>) offsets(%dma_start3A_129 : memref<400xi32, #tpu.memory_space<vmem>>) semaphore(%arg10 : memref<!tpu.dma_semaphore, #tpu.memory_space<semaphore_mem>>)
      } else {
      }
      %scan3A_101 = arith.constant 0 : i32
      %scan3A_102 = arith.constant 0 : i32
      %scan3A_103 = arith.constant 400 : i32
      %scan3A_104 = arith.addi %scan3A_102, %scan3A_103 : i32
      %scan3A_105 = arith.constant 4 : i32
      scf.for %scan3A_110 = %scan3A_102 to %scan3A_104 step %scan3A_105  : i32 {
        %get3A = arith.index_cast %scan3A_110 : i32 to index
        %get3A_111 = arith.constant 0 : index
        %get3A_112 = tpu.vector_load %arg9[%get3A, %get3A_111] {strides = array<i32>} : memref<400x64xf32, #tpu.memory_space<vmem>>, vector<1x16xf32>,
        %get3A_113 = vector.shape_cast %get3A_112 : vector<1x16xf32> to vector<16xf32>
        %swap3A = arith.index_cast %scan3A_110 : i32 to index
        %swap3A_114 = arith.constant 0 : index
        %swap3A_115 = tpu.vector_load %arg8[%swap3A, %swap3A_114] {strides = array<i32>} : memref<400x64xf32, #tpu.memory_space<vmem>>, vector<1x16xf32>,
        %swap3A_116 = vector.shape_cast %swap3A_115 : vector<1x16xf32> to vector<16xf32>
        %swap3A_117 = vector.shape_cast %get3A_113 : vector<16xf32> to vector<1x16xf32>
        tpu.vector_store %arg8[%swap3A, %swap3A_114], %swap3A_117 {add = true, strides = array<i32>} : memref<400x64xf32, #tpu.memory_space<vmem>>, vector<1x16xf32>,
        %get3A_118 = arith.index_cast %scan3A_110 : i32 to index
        %get3A_119 = arith.constant 16 : index
        %get3A_120 = tpu.vector_load %arg9[%get3A_118, %get3A_119] {strides = array<i32>} : memref<400x64xf32, #tpu.memory_space<vmem>>, vector<1x16xf32>,
        %get3A_121 = vector.shape_cast %get3A_120 : vector<1x16xf32> to vector<16xf32>
        %swap3A_122 = arith.index_cast %scan3A_110 : i32 to index
        %swap3A_123 = arith.constant 16 : index
        %swap3A_124 = tpu.vector_load %arg8[%swap3A_122, %swap3A_123] {strides = array<i32>} : memref<400x64xf32, #tpu.memory_space<vmem>>, vector<1x16xf32>,
        %swap3A_125 = vector.shape_cast %swap3A_124 : vector<1x16xf32> to vector<16xf32>
        %swap3A_126 = vector.shape_cast %get3A_121 : vector<16xf32> to vector<1x16xf32>
        tpu.vector_store %arg8[%swap3A_122, %swap3A_123], %swap3A_126 {add = true, strides = array<i32>} : memref<400x64xf32, #tpu.memory_space<vmem>>, vector<1x16xf32>,
        %get3A_127 = arith.index_cast %scan3A_110 : i32 to index
        %get3A_128 = arith.constant 32 : index
        %get3A_129 = tpu.vector_load %arg9[%get3A_127, %get3A_128] {strides = array<i32>} : memref<400x64xf32, #tpu.memory_space<vmem>>, vector<1x16xf32>,
        %get3A_130 = vector.shape_cast %get3A_129 : vector<1x16xf32> to vector<16xf32>
        %swap3A_131 = arith.index_cast %scan3A_110 : i32 to index
        %swap3A_132 = arith.constant 32 : index
        %swap3A_133 = tpu.vector_load %arg8[%swap3A_131, %swap3A_132] {strides = array<i32>} : memref<400x64xf32, #tpu.memory_space<vmem>>, vector<1x16xf32>,
        %swap3A_134 = vector.shape_cast %swap3A_133 : vector<1x16xf32> to vector<16xf32>
        %swap3A_135 = vector.shape_cast %get3A_130 : vector<16xf32> to vector<1x16xf32>
        tpu.vector_store %arg8[%swap3A_131, %swap3A_132], %swap3A_135 {add = true, strides = array<i32>} : memref<400x64xf32, #tpu.memory_space<vmem>>, vector<1x16xf32>,
        %get3A_136 = arith.index_cast %scan3A_110 : i32 to index
        %get3A_137 = arith.constant 48 : index
        %get3A_138 = tpu.vector_load %arg9[%get3A_136, %get3A_137] {strides = array<i32>} : memref<400x64xf32, #tpu.memory_space<vmem>>, vector<1x16xf32>,
        %get3A_139 = vector.shape_cast %get3A_138 : vector<1x16xf32> to vector<16xf32>
        %swap3A_140 = arith.index_cast %scan3A_110 : i32 to index
        %swap3A_141 = arith.constant 48 : index
        %swap3A_142 = tpu.vector_load %arg8[%swap3A_140, %swap3A_141] {strides = array<i32>} : memref<400x64xf32, #tpu.memory_space<vmem>>, vector<1x16xf32>,
        %swap3A_143 = vector.shape_cast %swap3A_142 : vector<1x16xf32> to vector<16xf32>
        %swap3A_144 = vector.shape_cast %get3A_139 : vector<16xf32> to vector<1x16xf32>
        tpu.vector_store %arg8[%swap3A_140, %swap3A_141], %swap3A_144 {add = true, strides = array<i32>} : memref<400x64xf32, #tpu.memory_space<vmem>>, vector<1x16xf32>,
        %scan3A_145 = arith.constant 1 : i32
        %scan3A_146 = arith.addi %scan3A_110, %scan3A_145 : i32
        %get3A_147 = arith.index_cast %scan3A_146 : i32 to index
        %get3A_148 = arith.constant 0 : index
        %get3A_149 = tpu.vector_load %arg9[%get3A_147, %get3A_148] {strides = array<i32>} : memref<400x64xf32, #tpu.memory_space<vmem>>, vector<1x16xf32>,
        %get3A_150 = vector.shape_cast %get3A_149 : vector<1x16xf32> to vector<16xf32>
        %swap3A_151 = arith.index_cast %scan3A_146 : i32 to index
        %swap3A_152 = arith.constant 0 : index
        %swap3A_153 = tpu.vector_load %arg8[%swap3A_151, %swap3A_152] {strides = array<i32>} : memref<400x64xf32, #tpu.memory_space<vmem>>, vector<1x16xf32>,
        %swap3A_154 = vector.shape_cast %swap3A_153 : vector<1x16xf32> to vector<16xf32>
        %swap3A_155 = vector.shape_cast %get3A_150 : vector<16xf32> to vector<1x16xf32>
        tpu.vector_store %arg8[%swap3A_151, %swap3A_152], %swap3A_155 {add = true, strides = array<i32>} : memref<400x64xf32, #tpu.memory_space<vmem>>, vector<1x16xf32>,
        %get3A_156 = arith.index_cast %scan3A_146 : i32 to index
        %get3A_157 = arith.constant 16 : index
        %get3A_158 = tpu.vector_load %arg9[%get3A_156, %get3A_157] {strides = array<i32>} : memref<400x64xf32, #tpu.memory_space<vmem>>, vector<1x16xf32>,
        %get3A_159 = vector.shape_cast %get3A_158 : vector<1x16xf32> to vector<16xf32>
        %swap3A_160 = arith.index_cast %scan3A_146 : i32 to index
        %swap3A_161 = arith.constant 16 : index
        %swap3A_162 = tpu.vector_load %arg8[%swap3A_160, %swap3A_161] {strides = array<i32>} : memref<400x64xf32, #tpu.memory_space<vmem>>, vector<1x16xf32>,
        %swap3A_163 = vector.shape_cast %swap3A_162 : vector<1x16xf32> to vector<16xf32>
        %swap3A_164 = vector.shape_cast %get3A_159 : vector<16xf32> to vector<1x16xf32>
        tpu.vector_store %arg8[%swap3A_160, %swap3A_161], %swap3A_164 {add = true, strides = array<i32>} : memref<400x64xf32, #tpu.memory_space<vmem>>, vector<1x16xf32>,
        %get3A_165 = arith.index_cast %scan3A_146 : i32 to index
        %get3A_166 = arith.constant 32 : index
        %get3A_167 = tpu.vector_load %arg9[%get3A_165, %get3A_166] {strides = array<i32>} : memref<400x64xf32, #tpu.memory_space<vmem>>, vector<1x16xf32>,
        %get3A_168 = vector.shape_cast %get3A_167 : vector<1x16xf32> to vector<16xf32>
        %swap3A_169 = arith.index_cast %scan3A_146 : i32 to index
        %swap3A_170 = arith.constant 32 : index
        %swap3A_171 = tpu.vector_load %arg8[%swap3A_169, %swap3A_170] {strides = array<i32>} : memref<400x64xf32, #tpu.memory_space<vmem>>, vector<1x16xf32>,
        %swap3A_172 = vector.shape_cast %swap3A_171 : vector<1x16xf32> to vector<16xf32>
        %swap3A_173 = vector.shape_cast %get3A_168 : vector<16xf32> to vector<1x16xf32>
        tpu.vector_store %arg8[%swap3A_169, %swap3A_170], %swap3A_173 {add = true, strides = array<i32>} : memref<400x64xf32, #tpu.memory_space<vmem>>, vector<1x16xf32>,
        %get3A_174 = arith.index_cast %scan3A_146 : i32 to index
        %get3A_175 = arith.constant 48 : index
        %get3A_176 = tpu.vector_load %arg9[%get3A_174, %get3A_175] {strides = array<i32>} : memref<400x64xf32, #tpu.memory_space<vmem>>, vector<1x16xf32>,
        %get3A_177 = vector.shape_cast %get3A_176 : vector<1x16xf32> to vector<16xf32>
        %swap3A_178 = arith.index_cast %scan3A_146 : i32 to index
        %swap3A_179 = arith.constant 48 : index
        %swap3A_180 = tpu.vector_load %arg8[%swap3A_178, %swap3A_179] {strides = array<i32>} : memref<400x64xf32, #tpu.memory_space<vmem>>, vector<1x16xf32>,
        %swap3A_181 = vector.shape_cast %swap3A_180 : vector<1x16xf32> to vector<16xf32>
        %swap3A_182 = vector.shape_cast %get3A_177 : vector<16xf32> to vector<1x16xf32>
        tpu.vector_store %arg8[%swap3A_178, %swap3A_179], %swap3A_182 {add = true, strides = array<i32>} : memref<400x64xf32, #tpu.memory_space<vmem>>, vector<1x16xf32>,
        %scan3A_183 = arith.constant 2 : i32
        %scan3A_184 = arith.addi %scan3A_110, %scan3A_183 : i32
        %get3A_185 = arith.index_cast %scan3A_184 : i32 to index
        %get3A_186 = arith.constant 0 : index
        %get3A_187 = tpu.vector_load %arg9[%get3A_185, %get3A_186] {strides = array<i32>} : memref<400x64xf32, #tpu.memory_space<vmem>>, vector<1x16xf32>,
        %get3A_188 = vector.shape_cast %get3A_187 : vector<1x16xf32> to vector<16xf32>
        %swap3A_189 = arith.index_cast %scan3A_184 : i32 to index
        %swap3A_190 = arith.constant 0 : index
        %swap3A_191 = tpu.vector_load %arg8[%swap3A_189, %swap3A_190] {strides = array<i32>} : memref<400x64xf32, #tpu.memory_space<vmem>>, vector<1x16xf32>,
        %swap3A_192 = vector.shape_cast %swap3A_191 : vector<1x16xf32> to vector<16xf32>
        %swap3A_193 = vector.shape_cast %get3A_188 : vector<16xf32> to vector<1x16xf32>
        tpu.vector_store %arg8[%swap3A_189, %swap3A_190], %swap3A_193 {add = true, strides = array<i32>} : memref<400x64xf32, #tpu.memory_space<vmem>>, vector<1x16xf32>,
        %get3A_194 = arith.index_cast %scan3A_184 : i32 to index
        %get3A_195 = arith.constant 16 : index
        %get3A_196 = tpu.vector_load %arg9[%get3A_194, %get3A_195] {strides = array<i32>} : memref<400x64xf32, #tpu.memory_space<vmem>>, vector<1x16xf32>,
        %get3A_197 = vector.shape_cast %get3A_196 : vector<1x16xf32> to vector<16xf32>
        %swap3A_198 = arith.index_cast %scan3A_184 : i32 to index
        %swap3A_199 = arith.constant 16 : index
        %swap3A_200 = tpu.vector_load %arg8[%swap3A_198, %swap3A_199] {strides = array<i32>} : memref<400x64xf32, #tpu.memory_space<vmem>>, vector<1x16xf32>,
        %swap3A_201 = vector.shape_cast %swap3A_200 : vector<1x16xf32> to vector<16xf32>
        %swap3A_202 = vector.shape_cast %get3A_197 : vector<16xf32> to vector<1x16xf32>
        tpu.vector_store %arg8[%swap3A_198, %swap3A_199], %swap3A_202 {add = true, strides = array<i32>} : memref<400x64xf32, #tpu.memory_space<vmem>>, vector<1x16xf32>,
        %get3A_203 = arith.index_cast %scan3A_184 : i32 to index
        %get3A_204 = arith.constant 32 : index
        %get3A_205 = tpu.vector_load %arg9[%get3A_203, %get3A_204] {strides = array<i32>} : memref<400x64xf32, #tpu.memory_space<vmem>>, vector<1x16xf32>,
        %get3A_206 = vector.shape_cast %get3A_205 : vector<1x16xf32> to vector<16xf32>
        %swap3A_207 = arith.index_cast %scan3A_184 : i32 to index
        %swap3A_208 = arith.constant 32 : index
        %swap3A_209 = tpu.vector_load %arg8[%swap3A_207, %swap3A_208] {strides = array<i32>} : memref<400x64xf32, #tpu.memory_space<vmem>>, vector<1x16xf32>,
        %swap3A_210 = vector.shape_cast %swap3A_209 : vector<1x16xf32> to vector<16xf32>
        %swap3A_211 = vector.shape_cast %get3A_206 : vector<16xf32> to vector<1x16xf32>
        tpu.vector_store %arg8[%swap3A_207, %swap3A_208], %swap3A_211 {add = true, strides = array<i32>} : memref<400x64xf32, #tpu.memory_space<vmem>>, vector<1x16xf32>,
        %get3A_212 = arith.index_cast %scan3A_184 : i32 to index
        %get3A_213 = arith.constant 48 : index
        %get3A_214 = tpu.vector_load %arg9[%get3A_212, %get3A_213] {strides = array<i32>} : memref<400x64xf32, #tpu.memory_space<vmem>>, vector<1x16xf32>,
        %get3A_215 = vector.shape_cast %get3A_214 : vector<1x16xf32> to vector<16xf32>
        %swap3A_216 = arith.index_cast %scan3A_184 : i32 to index
        %swap3A_217 = arith.constant 48 : index
        %swap3A_218 = tpu.vector_load %arg8[%swap3A_216, %swap3A_217] {strides = array<i32>} : memref<400x64xf32, #tpu.memory_space<vmem>>, vector<1x16xf32>,
        %swap3A_219 = vector.shape_cast %swap3A_218 : vector<1x16xf32> to vector<16xf32>
        %swap3A_220 = vector.shape_cast %get3A_215 : vector<16xf32> to vector<1x16xf32>
        tpu.vector_store %arg8[%swap3A_216, %swap3A_217], %swap3A_220 {add = true, strides = array<i32>} : memref<400x64xf32, #tpu.memory_space<vmem>>, vector<1x16xf32>,
        %scan3A_221 = arith.constant 3 : i32
        %scan3A_222 = arith.addi %scan3A_110, %scan3A_221 : i32
        %get3A_223 = arith.index_cast %scan3A_222 : i32 to index
        %get3A_224 = arith.constant 0 : index
        %get3A_225 = tpu.vector_load %arg9[%get3A_223, %get3A_224] {strides = array<i32>} : memref<400x64xf32, #tpu.memory_space<vmem>>, vector<1x16xf32>,
        %get3A_226 = vector.shape_cast %get3A_225 : vector<1x16xf32> to vector<16xf32>
        %swap3A_227 = arith.index_cast %scan3A_222 : i32 to index
        %swap3A_228 = arith.constant 0 : index
        %swap3A_229 = tpu.vector_load %arg8[%swap3A_227, %swap3A_228] {strides = array<i32>} : memref<400x64xf32, #tpu.memory_space<vmem>>, vector<1x16xf32>,
        %swap3A_230 = vector.shape_cast %swap3A_229 : vector<1x16xf32> to vector<16xf32>
        %swap3A_231 = vector.shape_cast %get3A_226 : vector<16xf32> to vector<1x16xf32>
        tpu.vector_store %arg8[%swap3A_227, %swap3A_228], %swap3A_231 {add = true, strides = array<i32>} : memref<400x64xf32, #tpu.memory_space<vmem>>, vector<1x16xf32>,
        %get3A_232 = arith.index_cast %scan3A_222 : i32 to index
        %get3A_233 = arith.constant 16 : index
        %get3A_234 = tpu.vector_load %arg9[%get3A_232, %get3A_233] {strides = array<i32>} : memref<400x64xf32, #tpu.memory_space<vmem>>, vector<1x16xf32>,
        %get3A_235 = vector.shape_cast %get3A_234 : vector<1x16xf32> to vector<16xf32>
        %swap3A_236 = arith.index_cast %scan3A_222 : i32 to index
        %swap3A_237 = arith.constant 16 : index
        %swap3A_238 = tpu.vector_load %arg8[%swap3A_236, %swap3A_237] {strides = array<i32>} : memref<400x64xf32, #tpu.memory_space<vmem>>, vector<1x16xf32>,
        %swap3A_239 = vector.shape_cast %swap3A_238 : vector<1x16xf32> to vector<16xf32>
        %swap3A_240 = vector.shape_cast %get3A_235 : vector<16xf32> to vector<1x16xf32>
        tpu.vector_store %arg8[%swap3A_236, %swap3A_237], %swap3A_240 {add = true, strides = array<i32>} : memref<400x64xf32, #tpu.memory_space<vmem>>, vector<1x16xf32>,
        %get3A_241 = arith.index_cast %scan3A_222 : i32 to index
        %get3A_242 = arith.constant 32 : index
        %get3A_243 = tpu.vector_load %arg9[%get3A_241, %get3A_242] {strides = array<i32>} : memref<400x64xf32, #tpu.memory_space<vmem>>, vector<1x16xf32>,
        %get3A_244 = vector.shape_cast %get3A_243 : vector<1x16xf32> to vector<16xf32>
        %swap3A_245 = arith.index_cast %scan3A_222 : i32 to index
        %swap3A_246 = arith.constant 32 : index
        %swap3A_247 = tpu.vector_load %arg8[%swap3A_245, %swap3A_246] {strides = array<i32>} : memref<400x64xf32, #tpu.memory_space<vmem>>, vector<1x16xf32>,
        %swap3A_248 = vector.shape_cast %swap3A_247 : vector<1x16xf32> to vector<16xf32>
        %swap3A_249 = vector.shape_cast %get3A_244 : vector<16xf32> to vector<1x16xf32>
        tpu.vector_store %arg8[%swap3A_245, %swap3A_246], %swap3A_249 {add = true, strides = array<i32>} : memref<400x64xf32, #tpu.memory_space<vmem>>, vector<1x16xf32>,
        %get3A_250 = arith.index_cast %scan3A_222 : i32 to index
        %get3A_251 = arith.constant 48 : index
        %get3A_252 = tpu.vector_load %arg9[%get3A_250, %get3A_251] {strides = array<i32>} : memref<400x64xf32, #tpu.memory_space<vmem>>, vector<1x16xf32>,
        %get3A_253 = vector.shape_cast %get3A_252 : vector<1x16xf32> to vector<16xf32>
        %swap3A_254 = arith.index_cast %scan3A_222 : i32 to index
        %swap3A_255 = arith.constant 48 : index
        %swap3A_256 = tpu.vector_load %arg8[%swap3A_254, %swap3A_255] {strides = array<i32>} : memref<400x64xf32, #tpu.memory_space<vmem>>, vector<1x16xf32>,
        %swap3A_257 = vector.shape_cast %swap3A_256 : vector<1x16xf32> to vector<16xf32>
        %swap3A_258 = vector.shape_cast %get3A_253 : vector<16xf32> to vector<1x16xf32>
        tpu.vector_store %arg8[%swap3A_254, %swap3A_255], %swap3A_258 {add = true, strides = array<i32>} : memref<400x64xf32, #tpu.memory_space<vmem>>, vector<1x16xf32>,
      }
      %scan3A_106 = arith.constant 400 : i32
      %mul3A_107 = arith.constant 400 : i32
      %mul3A_108 = arith.muli %add3A_79, %mul3A_107 : i32
      %add3A_109 = arith.addi %mul3A_2, %mul3A_108 : i32
      "tpu.region"() ({
        %run_scoped3A = tpu.sem_alloc : memref<!tpu.dma_semaphore, #tpu.memory_space<semaphore_mem>>
        %dma_start3A_110 = arith.constant 0 : i32
        %dma_start3A_111 = tpu.memref_slice %arg5[%add3A_109, %dma_start3A_110] : memref<819200x64xf32, #tpu.memory_space<hbm>> -> memref<400x64xf32, #tpu.memory_space<hbm>>
        %dma_start3A_112 = arith.constant 0 : i32
        %dma_start3A_113 = tpu.memref_slice %arg5[%add3A_109, %dma_start3A_112] : memref<819200x64xf32, #tpu.memory_space<hbm>> -> memref<400x64xf32, #tpu.memory_space<hbm>>
        tpu.enqueue_dma source(%arg8 : memref<400x64xf32, #tpu.memory_space<vmem>>) target(%dma_start3A_113 : memref<400x64xf32, #tpu.memory_space<hbm>>) target_semaphore(%run_scoped3A : memref<!tpu.dma_semaphore, #tpu.memory_space<semaphore_mem>>)
        %dma_wait3A_114 = arith.constant 0 : i32
        %dma_wait3A_115 = tpu.memref_slice %arg5[%add3A_109, %dma_wait3A_114] : memref<819200x64xf32, #tpu.memory_space<hbm>> -> memref<400x64xf32, #tpu.memory_space<hbm>>
        %dma_wait3A_116 = arith.constant 0 : i32
        %dma_wait3A_117 = tpu.memref_slice %arg5[%add3A_109, %dma_wait3A_116] : memref<819200x64xf32, #tpu.memory_space<hbm>> -> memref<400x64xf32, #tpu.memory_space<hbm>>
        tpu.wait_dma2 semaphore(%run_scoped3A : memref<!tpu.dma_semaphore, #tpu.memory_space<semaphore_mem>>) src(%arg8 : memref<400x64xf32, #tpu.memory_space<vmem>>) dst(%dma_wait3A_117 : memref<400x64xf32, #tpu.memory_space<hbm>>)
        tpu.yield
      }) : () -> ()
    }
    %scan3A_45 = arith.constant 32 : i32
    return
  }
}

</mosaic_0001>

<sc_bundles>
// kernel: kernel.3.cloned.1.call-start
scs
__scs_entry_jumppad:
0x0: {  	(pc) =	sbr.rel $0x88, $3  }
0x1: {  	(tag) =	ssettag $0x0;
	lr =	simm.s32 $0x1  }
0x2: {  	[smem:$0x3F9E] =	sst lr;
	_ =	strace $0xD0000000  }
0x3: {  	_ = 	snop  }
0x4: {  	_ = 	snop  }
0x5: {  	_ = 	snop  }
0x6: {  	_ = 	snop  }
0x7: {  	_ = 	snop  }
__scs_overlays_trampoline_lowered:
0x8: {  	[smem:$0x3FAD] =	sst s0  }
0x9: {  	[smem:$0x3FAE] =	sst s1  }
0xa: {  	[smem:$0x3FAF] =	sst s2  }
0xb: {  	[smem:$0x3FB0] =	sst s3  }
0xc: {  	[smem:$0x3FB1] =	sst s4  }
0xd: {  	[smem:$0x3FB2] =	sst s5  }
0xe: {  	[smem:$0x3FB3] =	sst s6  }
0xf: {  	[smem:$0x3FB4] =	sst s7  }
0x10: {  	[smem:$0x3FB5] =	sst s8  }
0x11: {  	[smem:$0x3FB6] =	sst s9;
	s0 =	simm.s32 @!p0 $0x0  }
0x12: {  	s1 =	sld [smem:$0x3F9C];
	s0 =	simm.s32 @p0 $0x1  }
0x13: {  	[smem:$0x3FB7] =	sst s0;
	s0 =	simm.s32 @!p1 $0x0  }
0x14: {  	s2 =	sld [smem:$0x3F9B];
	s0 =	simm.s32 @p1 $0x1  }
0x15: {  	[smem:$0x3FB8] =	sst s0;
	s0 =	simm.s32 @!p2 $0x0  }
0x16: {  	s3 =	sld [smem:$0x3FDB];
	s0 =	simm.s32 @p2 $0x1  }
0x17: {  	s4 =	simm.s32 $0x1BF5;
	[smem:$0x3FBA] =	sst s0  }
0x18: {  	s0 =	sld [smem:$0x3F9D];
	_ =	swait.ge [sflag:s4], $0x0  }
0x19: {  	s7 =	sld [smem:$0x3F9E]  }
0x1a: {  	s8 =	sadd.s32 $0xFFFFE003, lr  }
0x1b: {  	s9 =	sadd.s32 $0xFFFFFEF7, lr;
	s5 =	simm.s32 $0xFFFFFFFF;
	p2 =	slt.u32 s8, $0xFFFFF086  }
0x1c: {  	p1 =	slt.u32 s9, $0xF7A;
	s5 =	simm.s32 @!p2 $0x0  }
0x1d: {  	s5 =	simm.s32 @p1 $0x1;
	p0 =	seq.s32 s7, s2  }
0x1e: {  	s7 =	smul.u32 @!p0 $0xF7A, s2;
	p2 =	seq.s32 @!p0 s5, $0x0  }
0x1f: {  	s9 =	smul.u32 $0xF7A, s1;
	s8 =	simm.s32 @!p0 $0x1BF5;
	p2 =	por !p2, p0  }
0x20: {  	[sflag:s8] =	ssyncset.s32 @!p0 $0xFFFFF086;
	s6 =	sadd.s32 @!p0 s3, s7;
	s7 =	simm.s32 @!p0 $0x108  }
0x21: {  	s3 =	sadd.s32 s3, s9;
	s6 =	sadd.s32 @!p0 $0x88, s6;
	s7 =	simm.s32 @p2 $0x1082  }
0x22: {  	[simem:s7], [sflag:s8] =	dma.local @!p0 [hbm:s6], $0xF7A  }
0x23: {  	s9 =	sor.u32 $0xD0000000, s2;
	s6 =	simm.s32 $0x108;
	_ =	swait.ge @!p0 [sflag:s8], $0x0  }
0x24: {  	s3 =	sadd.s32 $0x88, s3;
	s6 =	simm.s32 @!p1 $0x1082;
	[sflag:s4] =	ssyncset.s32 $0xFFFFF086  }
0x25: {  	[simem:s6], [sflag:s4] =	dma.local [hbm:s3], $0xF7A  }
0x26: {  	[smem:$0x3F9E] =	sst s1;
	(tag) =	ssettag s2;
	_ =	strace s9  }
0x27: {  	s1 =	sld [smem:$0x3FAE]  }
0x28: {  	s2 =	sld [smem:$0x3FAF]  }
0x29: {  	s4 =	sld [smem:$0x3FB1]  }
0x2a: {  	p0 =	seq.s32 s5, $0x0;
	s5 =	sld [smem:$0x3FB2]  }
0x2b: {  	s6 =	sld [smem:$0x3FB3]  }
0x2c: {  	s7 =	sld [smem:$0x3FB4]  }
0x2d: {  	s3 =	simm.s32 $0x108;
	s8 =	sld [smem:$0x3FB5]  }
0x2e: {  	s3 =	simm.s32 @!p0 $0x1082;
	s9 =	sld [smem:$0x3FB6]  }
0x2f: {  	lr =	sadd.s32 s0, s3;
	s0 =	sld [smem:$0x3FAD]  }
0x30: {  	s3 =	sld [smem:$0x3FB0]  }
0x31: {  	[smem:$0x3FB9] =	sst s10  }
0x32: {  	s10 =	sld [smem:$0x3FB7];
	_ =	sdelay $0x3  }
0x33: {  	p0 =	seq.s32 s10, $0x1;
	s10 =	sld [smem:$0x3FB9];
	_ =	sdelay $0x3  }
0x34: {  	[smem:$0x3FB9] =	sst s10  }
0x35: {  	s10 =	sld [smem:$0x3FB8];
	_ =	sdelay $0x3  }
0x36: {  	p1 =	seq.s32 s10, $0x1;
	s10 =	sld [smem:$0x3FB9];
	_ =	sdelay $0x3  }
0x37: {  	[smem:$0x3FB9] =	sst s10  }
0x38: {  	s10 =	sld [smem:$0x3FBA]  }
0x39: {  	_ = 	snop;
	(pc) =	sbr.ind lr, $3  }
0x3a: {  	_ = 	snop  }
0x3b: {  	_ = 	snop  }
0x3c: {  	p2 =	seq.s32 s10, $0x1;
	s10 =	sld [smem:$0x3FB9]  }
0x3d: {  	_ =	shalt  }
0x3e: {  	_ =	shalt  }
0x3f: {  	_ =	shalt  }
0x40: {  	_ =	shalt  }
0x41: {  	_ =	shalt  }
0x42: {  	_ =	shalt  }
0x43: {  	_ =	shalt  }
0x44: {  	_ =	shalt  }
0x45: {  	_ =	shalt  }
0x46: {  	_ =	shalt  }
0x47: {  	_ =	shalt  }
0x48: {  	_ =	shalt  }
0x49: {  	_ =	shalt  }
0x4a: {  	_ =	shalt  }
0x4b: {  	_ =	shalt  }
0x4c: {  	_ =	shalt  }
0x4d: {  	_ =	shalt  }
0x4e: {  	_ =	shalt  }
0x4f: {  	_ =	shalt  }
0x50: {  	_ =	shalt  }
0x51: {  	_ =	shalt  }
0x52: {  	_ =	shalt  }
0x53: {  	_ =	shalt  }
0x54: {  	_ =	shalt  }
0x55: {  	_ =	shalt  }
0x56: {  	_ =	shalt  }
0x57: {  	_ =	shalt  }
0x58: {  	_ =	shalt  }
0x59: {  	_ =	shalt  }
0x5a: {  	_ =	shalt  }
0x5b: {  	_ =	shalt  }
0x5c: {  	_ =	shalt  }
0x5d: {  	_ =	shalt  }
0x5e: {  	_ =	shalt  }
0x5f: {  	_ =	shalt  }
0x60: {  	_ =	shalt  }
0x61: {  	_ =	shalt  }
0x62: {  	_ =	shalt  }
0x63: {  	_ =	shalt  }
0x64: {  	_ =	shalt  }
0x65: {  	_ =	shalt  }
0x66: {  	_ =	shalt  }
0x67: {  	_ =	shalt  }
0x68: {  	_ =	shalt  }
0x69: {  	_ =	shalt  }
0x6a: {  	_ =	shalt  }
0x6b: {  	_ =	shalt  }
0x6c: {  	_ =	shalt  }
0x6d: {  	_ =	shalt  }
0x6e: {  	_ =	shalt  }
0x6f: {  	_ =	shalt  }
0x70: {  	_ =	shalt  }
0x71: {  	_ =	shalt  }
0x72: {  	_ =	shalt  }
0x73: {  	_ =	shalt  }
0x74: {  	_ =	shalt  }
0x75: {  	_ =	shalt  }
0x76: {  	_ =	shalt  }
0x77: {  	_ =	shalt  }
0x78: {  	_ =	shalt  }
0x79: {  	_ =	shalt  }
0x7a: {  	_ =	shalt  }
0x7b: {  	_ =	shalt  }
0x7c: {  	_ =	shalt  }
0x7d: {  	_ =	shalt  }
0x7e: {  	_ =	shalt  }
0x7f: {  	_ =	shalt  }
0x80: {  	_ =	shalt  }
0x81: {  	_ =	shalt  }
0x82: {  	_ =	shalt  }
0x83: {  	_ =	shalt  }
0x84: {  	_ =	shalt  }
0x85: {  	_ =	shalt  }
0x86: {  	_ =	shalt  }
0x87: {  	_ =	shalt  }
.Lfunc_end0:
.L_simem_size_0:
called_computation.1_lowered:
.L_overlay_start_0:
0x88: {  	s2 =	sld [smem:$0x3FD9]  }
0x89: {  	s3 =	sld [smem:$0x3FFE];
	_ =	sdelay $0x1  }
0x8a: {  	s1 =	srdreg.scid  }
0x8b: {  	s0 =	sand.u32 $0x1, s1  }
0x8c: {  	s17 =	sshll.u32 s0, $0xA;
	s2 =	sadd.s32 s3, s2  }
0x8d: {  	s2 =	sadd.s32 s2, s17  }
0x8e: {  	[smem:$0x3FC5] =	sst s2  }
0x8f: {  	_ = 	snop  }
0x90: {  	s2 =	sld [smem:$0x3FD0];
	(tm) =	ssettm $0x1  }
0x91: {  	s18 =	sld [smem:$0x3FFB];
	_ =	sdelay $0x3  }
0x92: {  	_ =	strace s18  }
0x93: {  	s3 =	sld [smem:$0x3FFC];
	_ =	sdelay $0x3  }
0x94: {  	_ =	strace s3  }
0x95: {  	s3 =	sld [smem:$0x3FFD];
	_ =	sdelay $0x3  }
0x96: {  	_ =	strace s3  }
0x97: {  	_ =	strace $0x8FFFFFFF  }
0x98: {  	s19 =	sld [smem:$0x3FDB];
	_ =	sdelay $0x1  }
0x99: {  	s4 =	simm.s32 $_scs_section_size  }
0x9a: {  	s5 =	simm.s32 $_size__tile_overlayer_lowered;
	s6 =	simm.s32 $_tile_overlayer_lowered  }
0x9b: {  	s22 =	simm.s32 $0x1BFF;
	s21 =	sshll.u32 s6, $0x1;
	s3 =	sadd.s32 s4, s19  }
0x9c: {  	s7 =	simm.s32 $0x0;
	s20 =	sshll.u32 s5, $0x1;
	s5 =	sadd.s32 s21, s3  }
0x9d: {  	[timem:s7], [sflag:s22] =	dma.local [hbm:s5], s20  }
0x9e: {  	_ =	swait.ge [sflag:s22], s20  }
0x9f: {  	s4 =	ssub.s32 $0x0, s20;
	[sflag:s22] =	ssyncset.done $0x0  }
0xa0: {  	[sflag:s22] =	ssyncadd.s32 s4;
	_ =	sdelay $0x1  }
0xa1: {  	s23 =	simm.s32 $0x1B8B  }
0xa2: {  	_ =	swait.ge [sflag:s23], $0x1  }
0xa3: {  	[sflag:s23] =	ssyncset.done $0x0  }
0xa4: {  	s25 =	simm.s32 $0x1B8E;
	s24 =	sld [smem:$0x3FFE];
	[sflag:s23] =	ssyncadd.s32 $0xFFFFFFFF  }
0xa5: {  	s26 =	simm.s32 $execute0_lowered;
	[smem:$0x3FD2] =	sst s25  }
0xa6: {  	s5 =	sshll.u32 s26, $0x1;
	_ =	strace $0x80000046;
	[dreg:$0x1] =	wrdreg $0xFFFFFFFF  }
0xa7: {  	s28 =	simm.s32 $_size_execute0_lowered;
	s3 =	sadd.s32 s3, s5;
	[dreg:$0x0] =	wrdreg $0x0  }
0xa8: {  	s5 =	sshll.u32 s28, $0x1;
	[dreg:$0x2] =	wrdreg s3  }
0xa9: {  	[dreg:$0x3] =	wrdreg s5  }
0xaa: {  	[dreg:$0x4] =	wrdreg $0xC0  }
0xab: {  	_ =	task [dreg:s7], $0x5FFFF  }
0xac: {  	[dreg:$0x1] =	wrdreg $0xFFFFFFFF  }
0xad: {  	[dreg:$0x0] =	wrdreg $0x60  }
0xae: {  	[dreg:$0x2] =	wrdreg s24  }
0xaf: {  	[dreg:$0x3] =	wrdreg s2  }
0xb0: {  	[dreg:$0x4] =	wrdreg $0x9  }
0xb1: {  	_ =	task.clear_ibuf [dreg:s7], $0x5FFFF;
	_ =	strace $0x90000046  }
0xb2: {  	s29 =	simm.s32 $0x9;
	_ =	strace $0x80000048  }
0xb3: {  	_ =	swait.ge [sflag:s29], $0x1  }
0xb4: {  	[sflag:s29] =	ssyncadd.s32 $0xFFFFFFFF  }
0xb5: {  	_ =	strace $0x90000048  }
0xb6: {  	_ =	sfence  }
0xb7: {  	s30 =	sld [smem:$0x0];
	_ =	sdelay $0x2  }
0xb8: {  	s31 =	sshll.u32 s1, $0xD;
	s1 =	sshrl.u32 s1, $0x2  }
0xb9: {  	s3 =	sand.u32 $0x4000, s31;
	s1 =	sadd.s32 s1, s30  }
0xba: {  	s0 =	sor.u32 s3, s0;
	s1 =	sshll.u32 s1, $0x11  }
0xbb: {  	s0 =	sor.u32 s1, s0  }
0xbc: {  	s0 =	sadd.s32 $0x8F2B, s0  }
0xbd: {  	[sflag:s0] =	ssyncadd.remote.s32 $0x1  }
0xbe: {  	_ =	sfence.sel $0xFFFF  }
0xbf: {  	[dreg:$0x0] =	wrdreg $0xFFFFFFFF;
	(pc) =	sbr.abs _section_cstart, $3  }
0xc0: {  	[dreg:$0x1] =	wrdreg $0xFFFFFFFF  }
0xc1: {  	_ =	task.clear_ibuf [dreg:s7], $0x2FFFF;
	_ =	strace $0x9FFFFFFF  }
0xc2: {  	(tm) =	ssettm $0x7FFFFFFF  }
0xc3: {  	_ =	shalt  }
tec
execute0_lowered:
.L_overlay_start_1:
0x0: {  	(tag) =	ssettag $0x1  }
0x1: {  	s8 =	rddreg [dreg:$0x0]  }
0x2: {  	s1 =	srdreg.scid;
	s0 =	stileid.u32  }
0x3: {  	s2 =	rddreg [dreg:$0x1];
	s3 =	simm.s32 $0x0;
	s14 =	simm.s32 $0xCB20  }
0x4: {  	s15 =	simm.s32 $0x5;
	s16 =	simm.s32 $0xFD20;
	s17 =	simm.s32 $0x190  }
0x5: {  	s18 =	simm.s32 $0x3;
	s19 =	simm.s32 $0x320;
	s20 =	simm.s32 $0x1  }
0x6: {  	s21 =	simm.s32 $0x4;
	s22 =	simm.s32 $0x6720;
	s23 =	simm.s32 $0x2  }
0x7: {  	s6 =	sand.u32 $0x1, s1;
	s4 =	sshll.u32 s0, $0x1;
	s1 =	rddreg [dreg:$0x2]  }
0x8: {  	s24 =	simm.s32 $0x0;
	[smem:$0x7FF] =	sst s3;
	s4 =	sor.u32 s6, s4  }
0x9: {  	s5 =	sadd.s32 $0xC00, s8;
	s9 =	ssub.s32 $0x2, s6;
	s4 =	smul.u32 $0x6400, s4  }
0xa: {  	_ =	strace $0x80000047;
	s6 =	sadd.s32 $0xF43000, s8;
	s10 =	sshrl.u32 s9, $0x1  }
0xb: {  	s8 =	sadd.s32 $0x19C00, s8;
	s13 =	ssub.s32 s9, s10;
	s7 =	sshrl.u32 s4, $0x3  }
0xc: {  	s10 =	sor.u32 $0x320, s4;
	s11 =	sadd.s32 $0x4B0, s4;
	s7 =	sadd.s32 s5, s7  }
0xd: {  	s12 =	sor.u32 $0x190, s4;
	s13 =	smax.u32 s13, $0x1;
	s9 =	sadd.s32 $0x32, s7  }
.LBB2_1:
0xe: {  	[tilespmem:s14], [sflag:$0x5] =	stream.linear.gather [hbm4b:s8+s3], $0x3200, $0x38;
	[tilespmem:$0x12F20] =	vst v63  }
0xf: {  	_ =	swait.ge [sflag:s15], $0x3200  }
0x10: {  	[sflag:s15] =	ssyncset.done $0x0  }
0x11: {  	[sflag:s15] =	ssyncadd.s32 $0xFFFFCE00  }
0x12: {  	[tilespmem:s16], [sflag:$0x5] =	stream.linear.gather [hbm4b:s8+s3], $0x3200, $0x38;
	[tilespmem:$0x12F20] =	vst v63  }
0x13: {  	_ =	swait.ge [sflag:s15], $0x3200  }
0x14: {  	[sflag:s15] =	ssyncset.done $0x0  }
0x15: {  	[sflag:s15] =	ssyncadd.s32 $0xFFFFCE00  }
0x16: {  	[tilespmem:s3], [sflag:$0x3] =	stream.linear.gather [hbm4b:s7+s3], $0x190, $0x38;
	[tilespmem:$0x12F20] =	vst v63  }
0x17: {  	_ = 	snop  }
0x18: {  	[tilespmem:s17], [sflag:$0x4] =	stream.linear.gather [hbm4b:s9+s3], $0x190, $0x38;
	[tilespmem:$0x12F20] =	vst v63  }
0x19: {  	_ =	swait.ge [sflag:s18], $0x190  }
0x1a: {  	[sflag:s18] =	ssyncset.done $0x0  }
0x1b: {  	s25 =	simm.s32 $0x0;
	[sflag:s18] =	ssyncadd.s32 $0xFFFFFE70  }
0x1c: {  	[tilespmem:s19], [sflag:$0x1] =	stream.indirect.gather [hbm4b:s6+s17], $0x40, s3, s17, $0xb8;
	[tilespmem:$0x12F20] =	vst v63  }
.LBB2_2:
0x1d: {  	p0 =	seq.s32 s25, $0x1F  }
0x1e: {  	s26 =	smul.u32 @!p0 $0x320, s25;
	_ =	sdelay $0x1  }
0x1f: {  	_ =	swait.ge [sflag:s20], $0x6400;
	s26 =	sadd.s32 @!p0 s26, s10  }
0x20: {  	[sflag:s20] =	ssyncset.done $0x0;
	s26 =	sshrl.u32 @!p0 s26, $0x3  }
0x21: {  	s28 =	simm.s32 @!p0 $0x0;
	[sflag:s20] =	ssyncadd.s32 $0xFFFF9C00;
	s26 =	sadd.s32 @!p0 s5, s26  }
0x22: {  	[tilespmem:s28], [sflag:$0x3] =	stream.linear.gather @!p0 [hbm4b:s26+s28], $0x190, $0x38;
	[tilespmem:$0x12F20] =	vst v63  }
0x23: {  	_ =	swait.ge [sflag:s21], $0x190  }
0x24: {  	[sflag:s21] =	ssyncset.done $0x0  }
0x25: {  	s28 =	simm.s32 $0x0;
	[sflag:s21] =	ssyncadd.s32 $0xFFFFFE70  }
0x26: {  	[tilespmem:s22], [sflag:$0x2] =	stream.indirect.gather [hbm4b:s6+s17], $0x40, s17, s17, $0xb8;
	[tilespmem:$0x12F20] =	vst v63  }
0x27: {  	v0 =	vld [tilespmem:s28+$0xCC10]  }
0x28: {  	v1 =	vld [tilespmem:s28+$0xCB20]  }
0x29: {  	v2 =	vld [tilespmem:s28+$0xCB30]  }
0x2a: {  	v3 =	vld [tilespmem:s28+$0xCB40]  }
0x2b: {  	v4 =	vld [tilespmem:s28+$0xCB50]  }
0x2c: {  	v5 =	vld [tilespmem:s28+$0xCB60]  }
0x2d: {  	v6 =	vld [tilespmem:s28+$0xCB70]  }
0x2e: {  	v7 =	vld [tilespmem:s28+$0xCB80]  }
0x2f: {  	v8 =	vld [tilespmem:s28+$0xCB90]  }
0x30: {  	v9 =	vld [tilespmem:s28+$0xCBA0]  }
0x31: {  	v10 =	vld [tilespmem:s28+$0xCBB0]  }
0x32: {  	v11 =	vld [tilespmem:s28+$0xCBC0]  }
0x33: {  	v12 =	vld [tilespmem:s28+$0xCBD0]  }
0x34: {  	v13 =	vld [tilespmem:s28+$0xCBE0]  }
0x35: {  	v14 =	vld [tilespmem:s28+$0xCBF0]  }
0x36: {  	[tilespmem:s28+$0x410] =	vst.add.f32.msk $0xffff, v0  }
0x37: {  	v0 =	vld [tilespmem:s28+$0xCC00]  }
0x38: {  	[tilespmem:s28+$0x320] =	vst.add.f32.msk $0xffff, v1  }
0x39: {  	[tilespmem:s28+$0x330] =	vst.add.f32.msk $0xffff, v2  }
0x3a: {  	[tilespmem:s28+$0x340] =	vst.add.f32.msk $0xffff, v3  }
0x3b: {  	[tilespmem:s28+$0x350] =	vst.add.f32.msk $0xffff, v4  }
0x3c: {  	[tilespmem:s28+$0x360] =	vst.add.f32.msk $0xffff, v5  }
0x3d: {  	[tilespmem:s28+$0x370] =	vst.add.f32.msk $0xffff, v6  }
0x3e: {  	[tilespmem:s28+$0x380] =	vst.add.f32.msk $0xffff, v7  }
0x3f: {  	[tilespmem:s28+$0x390] =	vst.add.f32.msk $0xffff, v8  }
0x40: {  	[tilespmem:s28+$0x3A0] =	vst.add.f32.msk $0xffff, v9  }
0x41: {  	[tilespmem:s28+$0x3B0] =	vst.add.f32.msk $0xffff, v10  }
0x42: {  	[tilespmem:s28+$0x3C0] =	vst.add.f32.msk $0xffff, v11  }
0x43: {  	[tilespmem:s28+$0x3D0] =	vst.add.f32.msk $0xffff, v12  }
0x44: {  	[tilespmem:s28+$0x3E0] =	vst.add.f32.msk $0xffff, v13  }
0x45: {  	s29 =	simm.s32 $0x400;
	s26 =	simm.s32 $0x0;
	[tilespmem:s28+$0x3F0] =	vst.add.f32.msk $0xffff, v14  }
.LBB2_3:
0x46: {  	s26 =	sadd.s32 $0x4, s26;
	[tilespmem:s28+$0x400] =	vst.add.f32.msk $0xffff, v0;
	s28 =	sshra.s32 s29, $0x2  }
0x47: {  	v0 =	vld [tilespmem:s28+$0xCC10];
	p1 =	slt.u32 s26, $0x18C  }
0x48: {  	v1 =	vld [tilespmem:s28+$0xCB20]  }
0x49: {  	v2 =	vld [tilespmem:s28+$0xCB30]  }
0x4a: {  	v3 =	vld [tilespmem:s28+$0xCB40]  }
0x4b: {  	v4 =	vld [tilespmem:s28+$0xCB50]  }
0x4c: {  	[tilespmem:s28+$0x410] =	vst.add.f32.msk $0xffff, v0  }
0x4d: {  	v5 =	vld [tilespmem:s28+$0xCB60]  }
0x4e: {  	v6 =	vld [tilespmem:s28+$0xCB70]  }
0x4f: {  	v7 =	vld [tilespmem:s28+$0xCB80]  }
0x50: {  	v8 =	vld [tilespmem:s28+$0xCB90]  }
0x51: {  	v9 =	vld [tilespmem:s28+$0xCBA0]  }
0x52: {  	v10 =	vld [tilespmem:s28+$0xCBB0]  }
0x53: {  	v11 =	vld [tilespmem:s28+$0xCBC0]  }
0x54: {  	v12 =	vld [tilespmem:s28+$0xCBD0]  }
0x55: {  	v13 =	vld [tilespmem:s28+$0xCBE0]  }
0x56: {  	v14 =	vld [tilespmem:s28+$0xCBF0]  }
0x57: {  	v0 =	vld [tilespmem:s28+$0xCC00]  }
0x58: {  	[tilespmem:s28+$0x320] =	vst.add.f32.msk $0xffff, v1  }
0x59: {  	[tilespmem:s28+$0x330] =	vst.add.f32.msk $0xffff, v2  }
0x5a: {  	[tilespmem:s28+$0x340] =	vst.add.f32.msk $0xffff, v3  }
0x5b: {  	[tilespmem:s28+$0x350] =	vst.add.f32.msk $0xffff, v4  }
0x5c: {  	[tilespmem:s28+$0x360] =	vst.add.f32.msk $0xffff, v5  }
0x5d: {  	[tilespmem:s28+$0x370] =	vst.add.f32.msk $0xffff, v6  }
0x5e: {  	[tilespmem:s28+$0x380] =	vst.add.f32.msk $0xffff, v7  }
0x5f: {  	[tilespmem:s28+$0x390] =	vst.add.f32.msk $0xffff, v8  }
0x60: {  	[tilespmem:s28+$0x3A0] =	vst.add.f32.msk $0xffff, v9  }
.Ltmp0:
0x61: {  	[tilespmem:s28+$0x3B0] =	vst.add.f32.msk $0xffff, v10;
	(pc) =	sbr.rel @p1 .LBB2_3-.Ltmp0, $4  }
0x62: {  	[tilespmem:s28+$0x3C0] =	vst.add.f32.msk $0xffff, v11  }
0x63: {  	[tilespmem:s28+$0x3D0] =	vst.add.f32.msk $0xffff, v12  }
0x64: {  	[tilespmem:s28+$0x3E0] =	vst.add.f32.msk $0xffff, v13  }
0x65: {  	s29 =	sadd.s32 $0x400, s29;
	[tilespmem:s28+$0x3F0] =	vst.add.f32.msk $0xffff, v14  }
0x66: {  	s26 =	smul.u32 $0x320, s25;
	_ =	sdelay $0x1  }
0x67: {  	s29 =	sadd.s32 s4, s26  }
0x68: {  	s29 =	sshll.u32 s29, $0x3  }
0x69: {  	[tilespmem:s28+$0x400] =	vst.add.f32.msk $0xffff, v0;
	s28 =	sadd.s32 s2, s29  }
0x6a: {  	[hbm4b:s28+s3] =	stream.linear.scatter [tilespmem:s19], [sflag:$0x5], $0x6400, $0x38;
	[tilespmem:$0x12F20] =	vst v63  }
0x6b: {  	_ =	swait.ge [sflag:s15], $0x6400  }
0x6c: {  	[sflag:s15] =	ssyncset.done $0x0  }
0x6d: {  	[sflag:s15] =	ssyncadd.s32 $0xFFFF9C00  }
0x6e: {  	s28 =	sadd.s32 @!p0 s26, s11;
	_ =	swait.ge [sflag:s23], $0x6400  }
0x6f: {  	s30 =	simm.s32 @!p0 $0x190;
	s28 =	sshrl.u32 @!p0 s28, $0x3;
	[sflag:s23] =	ssyncset.done $0x0  }
0x70: {  	s29 =	simm.s32 @!p0 $0x0;
	s28 =	sadd.s32 @!p0 s5, s28;
	[sflag:s23] =	ssyncadd.s32 $0xFFFF9C00  }
0x71: {  	[tilespmem:s30], [sflag:$0x4] =	stream.linear.gather @!p0 [hbm4b:s28+s29], $0x190, $0x38;
	[tilespmem:$0x12F20] =	vst v63  }
0x72: {  	s28 =	simm.s32 @!p0 $0x3  }
0x73: {  	_ =	swait.ge @!p0 [sflag:s28], $0x190  }
0x74: {  	[sflag:s28] =	ssyncset.done @!p0 $0x0  }
0x75: {  	[sflag:s28] =	ssyncadd.s32 @!p0 $0xFFFFFE70;
	s28 =	simm.s32 @!p0 $0x320  }
0x76: {  	[tilespmem:s28], [sflag:$0x1] =	stream.indirect.gather @!p0 [hbm4b:s6+s30], $0x40, s29, s30, $0xb8;
	[tilespmem:$0x12F20] =	vst v63  }
0x77: {  	s28 =	simm.s32 $0x0  }
0x78: {  	v0 =	vld [tilespmem:s28+$0xCC10]  }
0x79: {  	v1 =	vld [tilespmem:s28+$0xCB20]  }
0x7a: {  	v2 =	vld [tilespmem:s28+$0xCB30]  }
0x7b: {  	v3 =	vld [tilespmem:s28+$0xCB40]  }
0x7c: {  	v4 =	vld [tilespmem:s28+$0xCB50]  }
0x7d: {  	v5 =	vld [tilespmem:s28+$0xCB60]  }
0x7e: {  	v6 =	vld [tilespmem:s28+$0xCB70]  }
0x7f: {  	v7 =	vld [tilespmem:s28+$0xCB80]  }
0x80: {  	v8 =	vld [tilespmem:s28+$0xCB90]  }
0x81: {  	v9 =	vld [tilespmem:s28+$0xCBA0]  }
0x82: {  	v10 =	vld [tilespmem:s28+$0xCBB0]  }
0x83: {  	v11 =	vld [tilespmem:s28+$0xCBC0]  }
0x84: {  	v12 =	vld [tilespmem:s28+$0xCBD0]  }
0x85: {  	v13 =	vld [tilespmem:s28+$0xCBE0]  }
0x86: {  	v14 =	vld [tilespmem:s28+$0xCBF0]  }
0x87: {  	[tilespmem:s28+$0x6810] =	vst.add.f32.msk $0xffff, v0  }
0x88: {  	v0 =	vld [tilespmem:s28+$0xCC00]  }
0x89: {  	[tilespmem:s28+$0x6720] =	vst.add.f32.msk $0xffff, v1  }
0x8a: {  	[tilespmem:s28+$0x6730] =	vst.add.f32.msk $0xffff, v2  }
0x8b: {  	[tilespmem:s28+$0x6740] =	vst.add.f32.msk $0xffff, v3  }
0x8c: {  	[tilespmem:s28+$0x6750] =	vst.add.f32.msk $0xffff, v4  }
0x8d: {  	[tilespmem:s28+$0x6760] =	vst.add.f32.msk $0xffff, v5  }
0x8e: {  	[tilespmem:s28+$0x6770] =	vst.add.f32.msk $0xffff, v6  }
0x8f: {  	[tilespmem:s28+$0x6780] =	vst.add.f32.msk $0xffff, v7  }
0x90: {  	[tilespmem:s28+$0x6790] =	vst.add.f32.msk $0xffff, v8  }
0x91: {  	[tilespmem:s28+$0x67A0] =	vst.add.f32.msk $0xffff, v9  }
0x92: {  	[tilespmem:s28+$0x67B0] =	vst.add.f32.msk $0xffff, v10  }
0x93: {  	[tilespmem:s28+$0x67C0] =	vst.add.f32.msk $0xffff, v11  }
0x94: {  	[tilespmem:s28+$0x67D0] =	vst.add.f32.msk $0xffff, v12  }
0x95: {  	[tilespmem:s28+$0x67E0] =	vst.add.f32.msk $0xffff, v13  }
0x96: {  	s29 =	simm.s32 $0x0;
	s30 =	simm.s32 $0x400;
	[tilespmem:s28+$0x67F0] =	vst.add.f32.msk $0xffff, v14  }
.LBB2_5:
0x97: {  	s29 =	sadd.s32 $0x4, s29;
	[tilespmem:s28+$0x6800] =	vst.add.f32.msk $0xffff, v0;
	s28 =	sshra.s32 s30, $0x2  }
0x98: {  	v0 =	vld [tilespmem:s28+$0xCC10];
	p0 =	slt.u32 s29, $0x18C  }
0x99: {  	v1 =	vld [tilespmem:s28+$0xCB20]  }
0x9a: {  	v2 =	vld [tilespmem:s28+$0xCB30]  }
0x9b: {  	v3 =	vld [tilespmem:s28+$0xCB40]  }
0x9c: {  	v4 =	vld [tilespmem:s28+$0xCB50]  }
0x9d: {  	[tilespmem:s28+$0x6810] =	vst.add.f32.msk $0xffff, v0  }
0x9e: {  	v5 =	vld [tilespmem:s28+$0xCB60]  }
0x9f: {  	v6 =	vld [tilespmem:s28+$0xCB70]  }
0xa0: {  	v7 =	vld [tilespmem:s28+$0xCB80]  }
0xa1: {  	v8 =	vld [tilespmem:s28+$0xCB90]  }
0xa2: {  	v9 =	vld [tilespmem:s28+$0xCBA0]  }
0xa3: {  	v10 =	vld [tilespmem:s28+$0xCBB0]  }
0xa4: {  	v11 =	vld [tilespmem:s28+$0xCBC0]  }
0xa5: {  	v12 =	vld [tilespmem:s28+$0xCBD0]  }
0xa6: {  	v13 =	vld [tilespmem:s28+$0xCBE0]  }
0xa7: {  	v14 =	vld [tilespmem:s28+$0xCBF0]  }
0xa8: {  	v0 =	vld [tilespmem:s28+$0xCC00]  }
0xa9: {  	[tilespmem:s28+$0x6720] =	vst.add.f32.msk $0xffff, v1  }
0xaa: {  	[tilespmem:s28+$0x6730] =	vst.add.f32.msk $0xffff, v2  }
0xab: {  	[tilespmem:s28+$0x6740] =	vst.add.f32.msk $0xffff, v3  }
0xac: {  	[tilespmem:s28+$0x6750] =	vst.add.f32.msk $0xffff, v4  }
0xad: {  	[tilespmem:s28+$0x6760] =	vst.add.f32.msk $0xffff, v5  }
0xae: {  	[tilespmem:s28+$0x6770] =	vst.add.f32.msk $0xffff, v6  }
0xaf: {  	[tilespmem:s28+$0x6780] =	vst.add.f32.msk $0xffff, v7  }
0xb0: {  	[tilespmem:s28+$0x6790] =	vst.add.f32.msk $0xffff, v8  }
0xb1: {  	[tilespmem:s28+$0x67A0] =	vst.add.f32.msk $0xffff, v9  }
.Ltmp1:
0xb2: {  	[tilespmem:s28+$0x67B0] =	vst.add.f32.msk $0xffff, v10;
	(pc) =	sbr.rel @p0 .LBB2_5-.Ltmp1, $4  }
0xb3: {  	[tilespmem:s28+$0x67C0] =	vst.add.f32.msk $0xffff, v11  }
0xb4: {  	[tilespmem:s28+$0x67D0] =	vst.add.f32.msk $0xffff, v12  }
0xb5: {  	[tilespmem:s28+$0x67E0] =	vst.add.f32.msk $0xffff, v13  }
0xb6: {  	s30 =	sadd.s32 $0x400, s30;
	[tilespmem:s28+$0x67F0] =	vst.add.f32.msk $0xffff, v14  }
0xb7: {  	s26 =	sadd.s32 s26, s12  }
0xb8: {  	s25 =	sadd.s32 $0x1, s25;
	s26 =	sshll.u32 s26, $0x3  }
0xb9: {  	p0 =	sne.s32 s25, $0x20;
	s26 =	sand.u32 $0x1FFFFF80, s26  }
.Ltmp2:
0xba: {  	[tilespmem:s28+$0x6800] =	vst.add.f32.msk $0xffff, v0;
	s26 =	sadd.s32 s2, s26;
	(pc) =	sbr.rel @p0 .LBB2_2-.Ltmp2, $4  }
0xbb: {  	[hbm4b:s26+s3] =	stream.linear.scatter [tilespmem:s22], [sflag:$0x5], $0x6400, $0x38;
	[tilespmem:$0x12F20] =	vst v63  }
0xbc: {  	_ =	swait.ge [sflag:s15], $0x6400  }
0xbd: {  	[sflag:s15] =	ssyncset.done $0x0  }
0xbe: {  	[sflag:s15] =	ssyncadd.s32 $0xFFFF9C00  }
0xbf: {  	s24 =	sadd.s32 $0x1, s24  }
0xc0: {  	p0 =	sne.s32 s24, s13  }
.Ltmp3:
0xc1: {  	_ = 	snop;
	(pc) =	sbr.rel @p0 .LBB2_1-.Ltmp3, $1  }
0xc2: {  	_ =	sdelay $0x3  }
0xc3: {  	_ =	sfence.sel $0x180000  }
0xc4: {  	[bflag:$0x0] =	sbarrier.arrive $0xFFFF  }
0xc5: {  	p0 =	sne.s32 s0, $0x0;
	_ =	strace $0x90000047  }
0xc6: {  	s0 =	sadd.s32 @!p0 $0x100000, s1;
	[bflag:$0x2] =	sbarrier.arrive $0xFFFF  }
0xc7: {  	[sflag:s0] =	ssyncadd.tile.s32 @!p0 $0x1;
	_ =	shalt  }
.Lfunc_end2:
_tile_overlayer_lowered:
.L_overlay_start_2:
0xc8: {  	(tag) =	ssettag $0x2  }
0xc9: {  	s0 =	rddreg [dreg:$0x0];
	s2 =	stileid.u32  }
0xca: {  	s1 =	rddreg [dreg:$0x1];
	p0 =	sne.s32 s2, $0x0  }
0xcb: {  	s3 =	rddreg [dreg:$0x2];
	[bflag:$0x3] =	sbarrier.arrive $0xFFFF;
	s2 =	simm.s32 @!p0 $0x1C05  }
0xcc: {  	[timem:s3], [sflag:s2] =	dma.local @!p0 [hbm:s0], s1  }
0xcd: {  	s0 =	simm.s32 @!p0 $0x5  }
0xce: {  	_ =	swait.ge @!p0 [sflag:s0], s1  }
0xcf: {  	s1 =	ssub.s32 @!p0 $0x0, s1;
	[sflag:s0] =	ssyncset.done @!p0 $0x0  }
0xd0: {  	[sflag:s0] =	ssyncadd.s32 @!p0 s1  }
0xd1: {  	[bflag:$0x3] =	sbarrier.arrive $0xFFFF  }
0xd2: {  	_ =	shalt  }

// kernel: sparse-core-data-format-call.cloned.1.call-start
scs
called_computation_lowered:
.L_overlay_start_0:
0x0: {  	s2 =	sld [smem:$0x3FD9]  }
0x1: {  	s3 =	sld [smem:$0x3FFE];
	_ =	sdelay $0x1  }
0x2: {  	s1 =	srdreg.scid  }
0x3: {  	s0 =	sand.u32 $0x1, s1  }
0x4: {  	s18 =	sshll.u32 s0, $0xA;
	s2 =	sadd.s32 s3, s2  }
0x5: {  	s2 =	sadd.s32 s2, s18  }
0x6: {  	[smem:$0x3FC5] =	sst s2  }
0x7: {  	_ = 	snop  }
0x8: {  	s2 =	sld [smem:$0x3FD0];
	(tm) =	ssettm $0x1  }
0x9: {  	s19 =	sld [smem:$0x3FFB];
	_ =	sdelay $0x3  }
0xa: {  	_ =	strace s19  }
0xb: {  	s3 =	sld [smem:$0x3FFC];
	_ =	sdelay $0x3  }
0xc: {  	_ =	strace s3  }
0xd: {  	s3 =	sld [smem:$0x3FFD];
	_ =	sdelay $0x3  }
0xe: {  	_ =	strace s3  }
0xf: {  	_ =	strace $0x8FFFFFFF  }
0x10: {  	s20 =	sld [smem:$0x3FDB];
	_ =	sdelay $0x1  }
0x11: {  	s4 =	simm.s32 $_scs_section_size  }
0x12: {  	s5 =	simm.s32 $_size__tile_overlayer_lowered;
	s6 =	simm.s32 $_tile_overlayer_lowered  }
0x13: {  	s23 =	simm.s32 $0x1BFF;
	s22 =	sshll.u32 s6, $0x1;
	s3 =	sadd.s32 s4, s20  }
0x14: {  	s7 =	simm.s32 $0x0;
	s21 =	sshll.u32 s5, $0x1;
	s5 =	sadd.s32 s22, s3  }
0x15: {  	[timem:s7], [sflag:s23] =	dma.local [hbm:s5], s21  }
0x16: {  	_ =	swait.ge [sflag:s23], s21  }
0x17: {  	s4 =	ssub.s32 $0x0, s21;
	[sflag:s23] =	ssyncset.done $0x0  }
0x18: {  	[sflag:s23] =	ssyncadd.s32 s4;
	_ =	sdelay $0x1  }
0x19: {  	s24 =	simm.s32 $0x1B8B  }
0x1a: {  	_ =	swait.ge [sflag:s24], $0x1  }
0x1b: {  	[sflag:s24] =	ssyncset.done $0x0  }
0x1c: {  	s26 =	simm.s32 $0x1B8E;
	s25 =	sld [smem:$0x3FFE];
	[sflag:s24] =	ssyncadd.s32 $0xFFFFFFFF  }
0x1d: {  	s27 =	simm.s32 $execute0_lowered;
	[smem:$0x3FD2] =	sst s26  }
0x1e: {  	s5 =	sshll.u32 s27, $0x1;
	_ =	strace $0x80000049;
	[dreg:$0x1] =	wrdreg $0xFFFFFFFF  }
0x1f: {  	s28 =	simm.s32 $_size_execute0_lowered;
	s3 =	sadd.s32 s3, s5;
	[dreg:$0x0] =	wrdreg $0x0  }
0x20: {  	s5 =	sshll.u32 s28, $0x1;
	[dreg:$0x2] =	wrdreg s3  }
0x21: {  	[dreg:$0x3] =	wrdreg s5  }
0x22: {  	[dreg:$0x4] =	wrdreg $0xC0  }
0x23: {  	_ =	task [dreg:s7], $0x5FFFF  }
0x24: {  	[dreg:$0x1] =	wrdreg $0xFFFFFFFF  }
0x25: {  	[dreg:$0x0] =	wrdreg $0x60  }
0x26: {  	[dreg:$0x2] =	wrdreg s25  }
0x27: {  	[dreg:$0x3] =	wrdreg s2  }
0x28: {  	[dreg:$0x4] =	wrdreg $0x9  }
0x29: {  	_ =	task.clear_ibuf [dreg:s7], $0x5FFFF;
	_ =	strace $0x90000049  }
0x2a: {  	s29 =	simm.s32 $0x9;
	_ =	strace $0x8000004B  }
0x2b: {  	_ =	swait.ge [sflag:s29], $0x1  }
0x2c: {  	[sflag:s29] =	ssyncadd.s32 $0xFFFFFFFF  }
0x2d: {  	_ =	strace $0x9000004B  }
0x2e: {  	_ =	sfence  }
0x2f: {  	s30 =	sld [smem:$0x0];
	_ =	sdelay $0x2  }
0x30: {  	s31 =	sshll.u32 s1, $0xD;
	s1 =	sshrl.u32 s1, $0x2  }
0x31: {  	s3 =	sand.u32 $0x4000, s31;
	s1 =	sadd.s32 s1, s30  }
0x32: {  	s0 =	sor.u32 s3, s0;
	s1 =	sshll.u32 s1, $0x11  }
0x33: {  	s0 =	sor.u32 s1, s0  }
0x34: {  	s0 =	sadd.s32 $0x8F2B, s0  }
0x35: {  	[sflag:s0] =	ssyncadd.remote.s32 $0x1  }
0x36: {  	_ =	sfence.sel $0xFFFF  }
0x37: {  	[dreg:$0x0] =	wrdreg $0xFFFFFFFF;
	(pc) =	sbr.abs _section_cstart, $3  }
0x38: {  	[dreg:$0x1] =	wrdreg $0xFFFFFFFF  }
0x39: {  	_ =	task.clear_ibuf [dreg:s7], $0x2FFFF;
	_ =	strace $0x9FFFFFFF  }
0x3a: {  	(tm) =	ssettm $0x7FFFFFFF  }
0x3b: {  	_ =	shalt  }
tec
execute0_lowered:
.L_overlay_start_1:
0x0: {  	(tag) =	ssettag $0x1  }
0x1: {  	s0 =	srdreg.scid  }
0x2: {  	s1 =	sshll.u32 s0, $0x4  }
0x3: {  	s0 =	stileid.u32;
	s1 =	sand.u32 $0x10, s1  }
0x4: {  	s1 =	sor.u32 s0, s1  }
0x5: {  	s6 =	rddreg [dreg:$0x0];
	s4 =	simm.s32 $0x1;
	s2 =	sshll.u32 s1, $0x7  }
0x6: {  	s7 =	simm.s32 $0x2;
	s12 =	simm.s32 $0x0;
	s1 =	ssub.s32 $0x1000, s2  }
0x7: {  	s8 =	simm.s32 $0x8000;
	s13 =	simm.s32 $0x0;
	s3 =	sand.u32 $0xF80, s1  }
0x8: {  	s9 =	simm.s32 $0x0;
	s5 =	sshrl.u32 s1, $0xC;
	p0 =	sne.s32 s3, $0x0  }
.Ltmp0:
0x9: {  	s1 =	rddreg [dreg:$0x2];
	s4 =	simm.s32 @!p0 $0x0;
	(pc) =	sbr.rel .LBB1_1-.Ltmp0, $4  }
0xa: {  	s11 =	simm.s32 $0x0;
	s3 =	rddreg [dreg:$0x1];
	s5 =	sadd.s32 s4, s5  }
0xb: {  	_ =	strace $0x8000004A;
	s4 =	simm.s32 $0x1;
	s5 =	smul.u32 $0xC8, s5  }
0xc: {  	s6 =	sadd.s32 $0xC00, s6;
	s10 =	smov.u32 s2;
	[sflag:s4] =	ssyncpa.u1 $0x0  }
0xd: {  	p0 =	por $0x0, $0x0;
	[sflag:s7] =	ssyncpa.u1 $0x0;
	s7 =	sor.u32 $0x1, s5  }
.LBB1_4:
0xe: {  	s16 =	sshll.u32 s13, $0x3;
	s17 =	sand.u32 $0x78, s13  }
0xf: {  	s30 =	sand.u32 $0x7E00, s13;
	s12 =	sshll.u32 s12, $0xF;
	s16 =	sand.u32 $0xC00, s16  }
0x10: {  	[tilespmem:s15+$0x810 ss:$0x81] =	vst.msk $0xffff, v2;
	s31 =	sand.u32 $0x7, s13;
	s16 =	sor.u32 s17, s16;
	s17 =	sadd.s32 s3, s30  }
0x11: {  	[tilespmem:s15+$0x1020 ss:$0x81] =	vst.msk $0xffff, v0;
	s13 =	sshll.u32 s31, $0x12;
	s12 =	sadd.s32 s12, s17;
	s16 =	sshrl.u32 s16, $0x3  }
0x12: {  	[tilespmem:s15+$0x0 ss:$0x81] =	vst.msk $0xffff, v1;
	s13 =	sor.u32 $0x400, s13;
	s12 =	sadd.s32 s16, s12  }
0x13: {  	[hbm4b:s12+s13] =	stream.strided.scatter [tilespmem:s14], [sflag:$0x2], $0x2000, s8, s13, $0x20;
	[tilespmem:$0x8080] =	vst v63  }
.LBB1_5:
0x14: {  	s14 =	sadd.s32 $0x1, s9  }
0x15: {  	s12 =	sadd.s32 $0x1000, s10;
	s16 =	smov.u32 s10;
	p2 =	sgt.s32 s14, $0xC7  }
0x16: {  	s16 =	smov.u32 @p2 s12  }
0x17: {  	s14 =	simm.s32 @p2 $0x0;
	p2 =	sgt.s32 s16, $0xFFF  }
0x18: {  	s16 =	smov.u32 @p2 s2;
	p2 =	sne.s32 s11, s7  }
.Ltmp1:
0x19: {  	p1 =	slt.u32 s11, $0x2;
	(pc) =	sbr.rel @!p2 .LBB1_6-.Ltmp1, $4  }
0x1a: {  	s15 =	simm.s32 @!p1 $0x2  }
0x1b: {  	s13 =	smov.u32 s10;
	p0 =	por !p0, !p0;
	_ =	swait.ge @!p1 [sflag:s15], $0x2000  }
0x1c: {  	s12 =	smov.u32 s9;
	[sflag:s15] =	ssyncset.done @!p1 $0x0;
	s9 =	smov.u32 s14  }
0x1d: {  	s11 =	sadd.s32 $0x1, s11;
	[sflag:s15] =	ssyncadd.s32 @!p1 $0xFFFFE000;
	s10 =	smov.u32 s16  }
.LBB1_1:
0x1e: {  	p1 =	sge.u32 s11, s5  }
0x1f: {  	s14 =	sand.u32 @!p1 $0x1FFFFFF, s9  }
0x20: {  	s15 =	smulhi.u32 @!p1 $0x147AE15, s14;
	_ =	sdelay $0x1  }
0x21: {  	s15 =	smul.u32 @!p1 $0xC8, s15  }
0x22: {  	s16 =	sxor.u32 @!p1 $0xFFFFFFFF, s11;
	s17 =	smul.u32 @!p1 $0xC80, s10  }
0x23: {  	s31 =	sadd.s32 $0xFFFFFFFF, s11;
	s16 =	sshll.u32 @!p1 s16, $0xD;
	s14 =	ssub.s32 @!p1 s14, s15  }
0x24: {  	s15 =	sand.u32 @!p1 $0x2000, s16;
	s16 =	sadd.s32 @!p1 s6, s17;
	s14 =	sshll.u32 @!p1 s14, $0x4  }
0x25: {  	s17 =	simm.s32 @!p1 $0x6400;
	s14 =	sadd.s32 @!p1 s14, s16;
	s16 =	simm.s32 @!p1 $0x40  }
0x26: {  	[tilespmem:s15], [sflag:$0x1] =	stream.strided.gather @!p1 [hbm4b:s14+s16], $0x2000, s17, s16, $0x38;
	[tilespmem:$0x8080] =	vst v63  }
0x27: {  	p1 =	sge.u32 s31, s5  }
.Ltmp2:
0x28: {  	_ = 	snop;
	(pc) =	sbr.rel @p1 .LBB1_5-.Ltmp2, $1  }
0x29: {  	_ =	sdelay $0x3  }
0x2a: {  	s14 =	simm.s32 $0x1  }
0x2b: {  	_ =	swait.ge [sflag:s4], $0x2000;
	s14 =	simm.s32 @!p0 $0x0  }
0x2c: {  	[sflag:s4] =	ssyncset.done $0x0;
	s15 =	sshll.u32 s14, $0xD  }
0x2d: {  	[sflag:s4] =	ssyncadd.s32 $0xFFFFE000;
	s18 =	sor.u32 $0x20, s15  }
0x2e: {  	s14 =	smul.u32 $0x8100, s14;
	v3 =	vld [tilespmem:s18+$0x10]  }
0x2f: {  	s30 =	sand.u32 $0x1, s11;
	v2 =	vld [tilespmem:s18+$0xFFFFFFF0]  }
0x30: {  	s15 =	smul.u32 $0x8100, s30;
	s14 =	sshrl.u32 s14, $0x2;
	v0 =	vld [tilespmem:s18+$0x0]  }
0x31: {  	v1 =	vld [tilespmem:s18+$0xFFFFFFE0];
	s16 =	sor.u32 $0x4000, s14  }
0x32: {  	s31 =	sshrl.u32 s15, $0x2;
	s15 =	sadd.s32 $0x0, s16  }
0x33: {  	s17 =	simm.s32 $0x4;
	s18 =	sadd.s32 $0x40, s18;
	s14 =	sor.u32 $0x4000, s31;
	[tilespmem:s15+$0x1830 ss:$0x81] =	vst.msk $0xffff, v3  }
.LBB1_3:
0x34: {  	v3 =	vld [tilespmem:s18+$0x10];
	p1 =	sne.s32 s17, $0x1FC;
	[tilespmem:s15+$0x810 ss:$0x81] =	vst.msk $0xffff, v2;
	s19 =	smov.u32 s17;
	s17 =	sadd.s32 $0x4, s17  }
.Ltmp3:
0x35: {  	v2 =	vld [tilespmem:s18+$0xFFFFFFF0];
	[tilespmem:s15+$0x1020 ss:$0x81] =	vst.msk $0xffff, v0;
	(pc) =	sbr.rel @p1 .LBB1_3-.Ltmp3, $4  }
0x36: {  	v0 =	vld [tilespmem:s18+$0x0];
	[tilespmem:s15+$0x0 ss:$0x81] =	vst.msk $0xffff, v1  }
0x37: {  	s15 =	sshra.s32 s19, $0x2;
	v1 =	vld [tilespmem:s18+$0xFFFFFFE0]  }
0x38: {  	s15 =	sadd.s32 s15, s16  }
0x39: {  	s18 =	sadd.s32 $0x40, s18;
	[tilespmem:s15+$0x1830 ss:$0x81] =	vst.msk $0xffff, v3  }
.Ltmp4:
0x3a: {  	_ = 	snop;
	(pc) =	sbr.rel .LBB1_4-.Ltmp4, $1  }
0x3b: {  	_ =	sdelay $0x3  }
.LBB1_6:
0x3c: {  	_ =	sfence.sel $0x180000  }
0x3d: {  	s2 =	simm.s32 $0x1;
	[bflag:$0x0] =	sbarrier.arrive $0xFFFF  }
0x3e: {  	s31 =	simm.s32 $0x2;
	[sflag:s2] =	ssyncpa.u1 $0x1  }
0x3f: {  	[sflag:s31] =	ssyncpa.u1 $0x1  }
0x40: {  	p0 =	sne.s32 s0, $0x0;
	_ =	strace $0x9000004A  }
0x41: {  	s0 =	sadd.s32 @!p0 $0x100000, s1;
	[bflag:$0x2] =	sbarrier.arrive $0xFFFF  }
0x42: {  	[sflag:s0] =	ssyncadd.tile.s32 @!p0 $0x1;
	_ =	shalt  }
.Lfunc_end1:
_tile_overlayer_lowered:
.L_overlay_start_2:
0x43: {  	(tag) =	ssettag $0x2  }
0x44: {  	s0 =	rddreg [dreg:$0x0];
	s2 =	stileid.u32  }
0x45: {  	s1 =	rddreg [dreg:$0x1];
	p0 =	sne.s32 s2, $0x0  }
0x46: {  	s3 =	rddreg [dreg:$0x2];
	[bflag:$0x3] =	sbarrier.arrive $0xFFFF;
	s2 =	simm.s32 @!p0 $0x1C01  }
0x47: {  	[timem:s3], [sflag:s2] =	dma.local @!p0 [hbm:s0], s1  }
0x48: {  	s0 =	simm.s32 @!p0 $0x1  }
0x49: {  	_ =	swait.ge @!p0 [sflag:s0], s1  }
0x4a: {  	s1 =	ssub.s32 @!p0 $0x0, s1;
	[sflag:s0] =	ssyncset.done @!p0 $0x0  }
0x4b: {  	[sflag:s0] =	ssyncadd.s32 @!p0 s1  }
0x4c: {  	[bflag:$0x3] =	sbarrier.arrive $0xFFFF  }
0x4d: {  	_ =	shalt  }

</sc_bundles>
